<compile_context>
chip_gen: v7x
topology: tpu7x:2x2x1
jax: 0.10.2.dev20260603
libtpu: 0.0.44.dev20260713+nightly
codegen_flags: <defaults>
</compile_context>

<pallas_src>
import functools

import jax
import jax.numpy as jnp
from jax import lax
from jax.experimental import pallas as pl
from jax.experimental.pallas import tpu as pltpu
from jax.experimental.pallas import tpu_sc as plsc

SQRT_2 = 1.414213

_BN = 512
_BM = 8192


def _top2_body(d0_ref, d1_ref, io_f_ref, io_b_ref,
               fv1, fi1, fv2, fok, bv1, bi1, bv2, bok):
    i = pl.program_id(0)
    j = pl.program_id(1)
    s = lax.dot_general(
        d0_ref[...], d1_ref[...],
        dimension_numbers=(((0,), (0,)), ((), ())),
        preferred_element_type=jnp.float32,
    )

    w1 = jnp.max(s, axis=1, keepdims=True)
    eq = s == w1
    eqf = eq.astype(jnp.bfloat16)
    r = lax.dot_general(
        eqf, io_f_ref[...], dimension_numbers=(((1,), (0,)), ((), ())),
        preferred_element_type=jnp.float32)
    idx_f = r[:, 0:1] * 32.0 + r[:, 1:2]
    cnt = r[:, 2:3]
    w2 = jnp.max(jnp.where(eq, -jnp.inf, s), axis=1, keepdims=True)
    w2 = jnp.where(cnt > 1.5, w1, w2)

    w1t = lax.transpose(w1, (1, 0))
    w2t = lax.transpose(w2, (1, 0))
    idx_t = lax.transpose(idx_f, (1, 0))
    a1 = jnp.minimum(idx_t.astype(jnp.int32), _BM - 1) + j * _BM

    ri = pl.ds(i, 1)
    first = j == 0
    cv1 = jnp.where(first, -3.0, fv1[ri, :])
    ci1 = jnp.where(first, 0, fi1[ri, :])
    cv2 = jnp.where(first, -3.0, fv2[ri, :])
    take = w1t > cv1
    m1 = jnp.where(take, w1t, cv1)
    mi = jnp.where(take, a1, ci1)
    m2 = jnp.maximum(jnp.minimum(cv1, w1t), jnp.maximum(cv2, w2t))
    fv1[ri, :] = m1
    fi1[ri, :] = mi
    fv2[ri, :] = m2

    @pl.when(j == pl.num_programs(1) - 1)
    def _fwd_epilogue():
        dist1 = SQRT_2 * jnp.sqrt(jnp.maximum(1.0 - m1, 1e-6))
        dist2 = SQRT_2 * jnp.sqrt(jnp.maximum(1.0 - m2, 1e-6))
        fok[ri, :] = (dist1 / dist2 < 1.0).astype(jnp.int32)

    u1 = jnp.max(s, axis=0, keepdims=True)
    eqb = s == u1
    eqbf = eqb.astype(jnp.bfloat16)
    rb = lax.dot_general(
        io_b_ref[...], eqbf, dimension_numbers=(((1,), (0,)), ((), ())),
        preferred_element_type=jnp.float32)
    idx_b = rb[0:1, :] * 32.0 + rb[1:2, :]
    b1 = idx_b.astype(jnp.int32) + i * _BN
    cntb = rb[2:3, :]
    u2 = jnp.max(jnp.where(eqb, -jnp.inf, s), axis=0, keepdims=True)
    u2 = jnp.where(cntb > 1.5, u1, u2)

    firstb = i == 0
    dv1 = jnp.where(firstb, -3.0, bv1[pl.ds(j, 1), :])
    di1 = jnp.where(firstb, 0, bi1[pl.ds(j, 1), :])
    dv2 = jnp.where(firstb, -3.0, bv2[pl.ds(j, 1), :])
    takeb = u1 > dv1
    n1 = jnp.where(takeb, u1, dv1)
    ni = jnp.where(takeb, b1, di1)
    n2 = jnp.maximum(jnp.minimum(dv1, u1), jnp.maximum(dv2, u2))
    bv1[pl.ds(j, 1), :] = n1
    bi1[pl.ds(j, 1), :] = ni
    bv2[pl.ds(j, 1), :] = n2

    @pl.when(i == pl.num_programs(0) - 1)
    def _bck_epilogue():
        bd1 = SQRT_2 * jnp.sqrt(jnp.maximum(1.0 - n1, 1e-6))
        bd2 = SQRT_2 * jnp.sqrt(jnp.maximum(1.0 - n2, 1e-6))
        bok[pl.ds(j, 1), :] = (bd1 / bd2 < 1.0).astype(jnp.int32)


def _run_top2(d0, d1):
    F, N = d0.shape
    _, M = d1.shape
    I, J = N // _BN, M // _BM
    grid = (I, J)
    blk_out = lambda rows, cols: pl.BlockSpec((rows, cols), lambda i, j: (0, 0))
    out_shapes = [
        jax.ShapeDtypeStruct((I, _BN), jnp.float32),
        jax.ShapeDtypeStruct((I, _BN), jnp.int32),
        jax.ShapeDtypeStruct((I, _BN), jnp.float32),
        jax.ShapeDtypeStruct((I, _BN), jnp.int32),
        jax.ShapeDtypeStruct((J, _BM), jnp.float32),
        jax.ShapeDtypeStruct((J, _BM), jnp.int32),
        jax.ShapeDtypeStruct((J, _BM), jnp.float32),
        jax.ShapeDtypeStruct((J, _BM), jnp.int32),
    ]
    out_specs = [
        blk_out(I, _BN), blk_out(I, _BN), blk_out(I, _BN), blk_out(I, _BN),
        blk_out(J, _BM), blk_out(J, _BM), blk_out(J, _BM), blk_out(J, _BM),
    ]
    iota_m = jnp.arange(_BM, dtype=jnp.int32)[:, None]
    io_f = jnp.concatenate(
        [(iota_m // 32).astype(jnp.bfloat16),
         (iota_m % 32).astype(jnp.bfloat16),
         jnp.ones((_BM, 1), jnp.bfloat16)], axis=1)
    iota_n = jnp.arange(_BN, dtype=jnp.int32)[None, :]
    io_b = jnp.concatenate(
        [(iota_n // 32).astype(jnp.bfloat16),
         (iota_n % 32).astype(jnp.bfloat16),
         jnp.ones((1, _BN), jnp.bfloat16)], axis=0)
    outs = pl.pallas_call(
        _top2_body,
        grid=grid,
        in_specs=[
            pl.BlockSpec((F, _BN), lambda i, j: (0, i)),
            pl.BlockSpec((F, _BM), lambda i, j: (0, j)),
            pl.BlockSpec((_BM, 3), lambda i, j: (0, 0)),
            pl.BlockSpec((3, _BN), lambda i, j: (0, 0)),
        ],
        out_specs=out_specs,
        out_shape=out_shapes,
        compiler_params=pltpu.CompilerParams(
            dimension_semantics=("arbitrary", "arbitrary"),
        ),
    )(d0, d1, io_f, io_b)
    _, fi1, _, fok, _, bi1, _, bok = outs
    return (fi1.reshape(N), fok.reshape(N), bi1.reshape(M), bok.reshape(M))


def _mutual_match_sc(fwd_best, fwd_ok, bck_best, bck_ok):
    N = fwd_best.shape[0]
    M = bck_best.shape[0]
    info = plsc.get_sparse_core_info()
    NC, NS, L = info.num_cores, info.num_subcores, info.num_lanes
    NW = NC * NS
    chunk = N // NW
    mesh = plsc.VectorSubcoreMesh(core_axis_name="c", subcore_axis_name="s")

    @functools.partial(
        pl.kernel,
        mesh=mesh,
        out_type=[
            jax.ShapeDtypeStruct((N,), jnp.int32),
            jax.ShapeDtypeStruct((N,), jnp.int32),
        ],
        scratch_types=[
            pltpu.VMEM((chunk,), jnp.int32),
            pltpu.VMEM((chunk,), jnp.int32),
            pltpu.VMEM((chunk,), jnp.int32),
            pltpu.VMEM((chunk,), jnp.int32),
            pltpu.VMEM((chunk,), jnp.int32),
            pltpu.VMEM((chunk,), jnp.int32),
            pltpu.SemaphoreType.DMA,
        ],
    )
    def body(fb_hbm, fo_hbm, bb_hbm, bo_hbm, idx_hbm, ms_hbm,
             fb_v, fo_v, gb_v, go_v, oi_v, os_v, sem):
        wid = lax.axis_index("s") * NC + lax.axis_index("c")
        base = wid * chunk
        pltpu.sync_copy(fb_hbm.at[pl.ds(base, chunk)], fb_v)
        pltpu.sync_copy(fo_hbm.at[pl.ds(base, chunk)], fo_v)
        pltpu.async_copy(bb_hbm.at[fb_v], gb_v, sem).wait()
        pltpu.async_copy(bo_hbm.at[fb_v], go_v, sem).wait()

        for t in range(chunk // L):
            off = t * L
            idx = fb_v[pl.ds(off, L)]
            f_ok = fo_v[pl.ds(off, L)]
            g_best = gb_v[pl.ds(off, L)]
            g_ok = go_v[pl.ds(off, L)]
            row = lax.iota(jnp.int32, L) + (base + off)
            ok = (f_ok > 0) & (g_ok > 0) & (g_best == row)
            res = jnp.where(ok, idx, -1)
            oi_v[pl.ds(off, L)] = res
            os_v[pl.ds(off, L)] = jnp.where(res > 0, 1, 0).astype(jnp.int32)

        pltpu.sync_copy(oi_v, idx_hbm.at[pl.ds(base, chunk)])
        pltpu.sync_copy(os_v, ms_hbm.at[pl.ds(base, chunk)])

    return body(fwd_best, fwd_ok, bck_best, bck_ok)


def kernel(descriptors0, descriptors1, keypoints0, keypoints1):
    d0 = descriptors0[0]
    d1 = descriptors1[0]
    N = d0.shape[1]
    M = d1.shape[1]
    fwd_best, fwd_ok, bck_best, bck_ok = _run_top2(d0, d1)
    indices0, mscores0 = _mutual_match_sc(fwd_best, fwd_ok, bck_best, bck_ok)
    indices0 = indices0[None, :]
    mscores0 = mscores0[None, :]
    matches1 = jnp.full((1, M), -1, dtype=jnp.int32)
    mscores1 = jnp.zeros((1, M), dtype=keypoints1.dtype)
    return (indices0, matches1, mscores0, mscores1)

# --- scband reference (transcript-rebuilt; emitter-appended) ---
"""Pipeline reference for scband-disk-18253611008110 (READ-ONLY COPY).

The authoritative reference and input builder live on the scoring server;
editing this copy changes nothing except your own understanding.
"""

import jax, jax.numpy as jnp
import numpy as np

SQRT_2 = 1.414213
MAX_FULL_MATRIX = 10000 ** 2


def distance_matrix(fs1, fs2):
    return SQRT_2 * jnp.sqrt(jnp.clip(1.0 - fs1 @ fs2.T, 1e-06, None))


def _ratio_one_way(dist_m, rt):
    neg_val, ix = jax.lax.top_k(-dist_m, 2)
    val = -neg_val
    ratio = val[:, 0] / val[:, 1]
    passed = ratio < rt
    best = ix[:, 0].astype(jnp.int32)
    return passed, best


def _match_chunkwise(ds1, ds2, rt):
    chunk_size = MAX_FULL_MATRIX // ds1.shape[0]
    passed_chunks = []
    best_chunks = []
    start = 0
    while start < ds2.shape[0]:
        ds2_chunk = ds2[start:start + chunk_size]
        dist_m = distance_matrix(ds1, ds2_chunk)
        passed, best = _ratio_one_way(dist_m, rt)
        passed_chunks.append(passed)
        best_chunks.append(best + start)
        start += chunk_size
    return jnp.stack(passed_chunks, axis=0), jnp.stack(best_chunks, axis=0)


def _match(ds1, ds2, rt):
    fwd_passed, fwd_best = _match_chunkwise(ds1, ds2, rt)
    bck_passed, bck_best = _match_chunkwise(ds2, ds1, rt)
    n1 = ds1.shape[0]
    row_ids = jnp.arange(n1, dtype=jnp.int32)
    j = fwd_best
    back_agrees = jnp.any(
        bck_passed[:, j] & (bck_best[:, j] == row_ids[None, :]), axis=0
    )
    mutual = fwd_passed & back_agrees
    rows = jnp.broadcast_to(row_ids[None, :], fwd_best.shape)
    return mutual, rows, fwd_best


def setup_inputs(seed: int = 0):
    key = jax.random.key(seed)
    k0, k1, k2, k3 = jax.random.split(key, 4)
    N = 8192; M = 8192; F = 128
    d0 = jax.random.normal(k0, (1, F, N), dtype=jnp.float32)
    d1 = jax.random.normal(k1, (1, F, M), dtype=jnp.float32)
    # module assumes L2-normalized descriptors (see distance_matrix docstring)
    d0 = d0 / jnp.linalg.norm(d0, axis=1, keepdims=True)
    d1 = d1 / jnp.linalg.norm(d1, axis=1, keepdims=True)
    keypoints0 = jax.random.uniform(k2, (1, N, 2), dtype=jnp.float32) * 512.0
    keypoints1 = jax.random.uniform(k3, (1, M, 2), dtype=jnp.float32) * 512.0
    return {"descriptors0": d0, "descriptors1": d1, "keypoints0": keypoints0, "keypoints1": keypoints1}


def reference(descriptors0, descriptors1, keypoints0, keypoints1):
    rt = 1.0
    d0 = jnp.squeeze(descriptors0, 0).T
    d1 = jnp.squeeze(descriptors1, 0).T
    mutual, rows, cols = _match(d0, d1, rt)
    indices0 = -jnp.ones((keypoints0.shape[1],), dtype=jnp.int32)
    if rows.size > 0:
        scatter_rows = jnp.where(mutual, rows, keypoints0.shape[1]).ravel()
        indices0 = indices0.at[scatter_rows].set(cols.ravel(), mode="drop")
    indices0 = indices0[None, :]
    mscores0 = jnp.where(indices0 > 0, 1, 0)
    matches1 = jnp.full(keypoints1.shape[:-1], -1, dtype=jnp.int32)
    mscores1 = jnp.zeros(keypoints1.shape[:-1], dtype=keypoints1.dtype)
    return (indices0, matches1, mscores0, mscores1)

if __name__ == "__main__":
    import jax
    _d = setup_inputs()
    print(jax.jit(kernel)(*tuple(_d.values())))

</pallas_src>

<mosaic_0001>
#map = affine_map<(d0, d1) -> (0)>
module attributes {stable_mosaic.version = 14 : i64} {
  func.func @body(%arg0: i32, %arg1: i32, %arg2: memref<8192xi32, #tpu.memory_space<hbm>>, %arg3: memref<8192xi32, #tpu.memory_space<hbm>>, %arg4: memref<8192xi32, #tpu.memory_space<hbm>>, %arg5: memref<8192xi32, #tpu.memory_space<hbm>>, %arg6: memref<8192xi32, #tpu.memory_space<hbm>>, %arg7: memref<8192xi32, #tpu.memory_space<hbm>>, %arg8: memref<256xi32, #tpu.memory_space<vmem>>, %arg9: memref<256xi32, #tpu.memory_space<vmem>>, %arg10: memref<256xi32, #tpu.memory_space<vmem>>, %arg11: memref<256xi32, #tpu.memory_space<vmem>>, %arg12: memref<256xi32, #tpu.memory_space<vmem>>, %arg13: memref<256xi32, #tpu.memory_space<vmem>>, %arg14: memref<!tpu.dma_semaphore, #tpu.memory_space<semaphore_mem>>) attributes {dimension_semantics = [#tpu.dimension_semantics<core_parallel>, #tpu.dimension_semantics<subcore_parallel>], iteration_bounds = array<i64: 2, 16>, scalar_prefetch = 0 : i64, scratch_operands = 7 : i64, tpu.core_type = #tpu.core_type<sc_vector_subcore>, window_params = [{transform_indices = #map}, {transform_indices = #map}, {transform_indices = #map}, {transform_indices = #map}, {transform_indices = #map}, {transform_indices = #map}]} {
    %mul3A = arith.constant 2 : i32
    %mul3A_0 = arith.muli %arg1, %mul3A : i32
    %add3A = arith.addi %mul3A_0, %arg0 : i32
    %mul3A_1 = arith.constant 256 : i32
    %mul3A_2 = arith.muli %add3A, %mul3A_1 : i32
    "tpu.region"() ({
      %run_scoped3A = tpu.sem_alloc : memref<!tpu.dma_semaphore, #tpu.memory_space<semaphore_mem>>
      %dma_start3A_720 = tpu.memref_slice %arg2[%mul3A_2] : memref<8192xi32, #tpu.memory_space<hbm>> -> memref<256xi32, #tpu.memory_space<hbm>>
      %dma_start3A_721 = tpu.memref_slice %arg2[%mul3A_2] : memref<8192xi32, #tpu.memory_space<hbm>> -> memref<256xi32, #tpu.memory_space<hbm>>
      tpu.enqueue_dma source(%dma_start3A_721 : memref<256xi32, #tpu.memory_space<hbm>>) target(%arg8 : memref<256xi32, #tpu.memory_space<vmem>>) target_semaphore(%run_scoped3A : memref<!tpu.dma_semaphore, #tpu.memory_space<semaphore_mem>>)
      %dma_wait3A_722 = tpu.memref_slice %arg2[%mul3A_2] : memref<8192xi32, #tpu.memory_space<hbm>> -> memref<256xi32, #tpu.memory_space<hbm>>
      %dma_wait3A_723 = tpu.memref_slice %arg2[%mul3A_2] : memref<8192xi32, #tpu.memory_space<hbm>> -> memref<256xi32, #tpu.memory_space<hbm>>
      tpu.wait_dma2 semaphore(%run_scoped3A : memref<!tpu.dma_semaphore, #tpu.memory_space<semaphore_mem>>) src(%dma_wait3A_723 : memref<256xi32, #tpu.memory_space<hbm>>) dst(%arg8 : memref<256xi32, #tpu.memory_space<vmem>>)
      tpu.yield
    }) : () -> ()
    "tpu.region"() ({
      %run_scoped3A = tpu.sem_alloc : memref<!tpu.dma_semaphore, #tpu.memory_space<semaphore_mem>>
      %dma_start3A_720 = tpu.memref_slice %arg3[%mul3A_2] : memref<8192xi32, #tpu.memory_space<hbm>> -> memref<256xi32, #tpu.memory_space<hbm>>
      %dma_start3A_721 = tpu.memref_slice %arg3[%mul3A_2] : memref<8192xi32, #tpu.memory_space<hbm>> -> memref<256xi32, #tpu.memory_space<hbm>>
      tpu.enqueue_dma source(%dma_start3A_721 : memref<256xi32, #tpu.memory_space<hbm>>) target(%arg9 : memref<256xi32, #tpu.memory_space<vmem>>) target_semaphore(%run_scoped3A : memref<!tpu.dma_semaphore, #tpu.memory_space<semaphore_mem>>)
      %dma_wait3A_722 = tpu.memref_slice %arg3[%mul3A_2] : memref<8192xi32, #tpu.memory_space<hbm>> -> memref<256xi32, #tpu.memory_space<hbm>>
      %dma_wait3A_723 = tpu.memref_slice %arg3[%mul3A_2] : memref<8192xi32, #tpu.memory_space<hbm>> -> memref<256xi32, #tpu.memory_space<hbm>>
      tpu.wait_dma2 semaphore(%run_scoped3A : memref<!tpu.dma_semaphore, #tpu.memory_space<semaphore_mem>>) src(%dma_wait3A_723 : memref<256xi32, #tpu.memory_space<hbm>>) dst(%arg9 : memref<256xi32, #tpu.memory_space<vmem>>)
      tpu.yield
    }) : () -> ()
    %dma_start3A = arith.constant 0 : i32
    %dma_start3A_3 = tpu.memref_slice %arg4[%dma_start3A] : memref<8192xi32, #tpu.memory_space<hbm>> -> memref<8192xi32, #tpu.memory_space<hbm>>
    tpu.enqueue_indirect_dma source(%dma_start3A_3 : memref<8192xi32, #tpu.memory_space<hbm>>) target(%arg10 : memref<256xi32, #tpu.memory_space<vmem>>) offsets(%arg8 : memref<256xi32, #tpu.memory_space<vmem>>) semaphore(%arg14 : memref<!tpu.dma_semaphore, #tpu.memory_space<semaphore_mem>>)
    %dma_wait3A = arith.constant 0 : i32
    %dma_wait3A_4 = tpu.memref_slice %arg4[%dma_wait3A] : memref<8192xi32, #tpu.memory_space<hbm>> -> memref<8192xi32, #tpu.memory_space<hbm>>
    tpu.wait_indirect_dma semaphore(%arg14 : memref<!tpu.dma_semaphore, #tpu.memory_space<semaphore_mem>>) src(%dma_wait3A_4 : memref<8192xi32, #tpu.memory_space<hbm>>) dst(%arg10 : memref<256xi32, #tpu.memory_space<vmem>>)
    %dma_start3A_5 = arith.constant 0 : i32
    %dma_start3A_6 = tpu.memref_slice %arg5[%dma_start3A_5] : memref<8192xi32, #tpu.memory_space<hbm>> -> memref<8192xi32, #tpu.memory_space<hbm>>
    tpu.enqueue_indirect_dma source(%dma_start3A_6 : memref<8192xi32, #tpu.memory_space<hbm>>) target(%arg11 : memref<256xi32, #tpu.memory_space<vmem>>) offsets(%arg8 : memref<256xi32, #tpu.memory_space<vmem>>) semaphore(%arg14 : memref<!tpu.dma_semaphore, #tpu.memory_space<semaphore_mem>>)
    %dma_wait3A_7 = arith.constant 0 : i32
    %dma_wait3A_8 = tpu.memref_slice %arg5[%dma_wait3A_7] : memref<8192xi32, #tpu.memory_space<hbm>> -> memref<8192xi32, #tpu.memory_space<hbm>>
    tpu.wait_indirect_dma semaphore(%arg14 : memref<!tpu.dma_semaphore, #tpu.memory_space<semaphore_mem>>) src(%dma_wait3A_8 : memref<8192xi32, #tpu.memory_space<hbm>>) dst(%arg11 : memref<256xi32, #tpu.memory_space<vmem>>)
    %get3A = arith.constant 0 : index
    %get3A_9 = tpu.vector_load %arg8[%get3A] {strides = array<i32>} : memref<256xi32, #tpu.memory_space<vmem>>, vector<16xi32>,
    %get3A_10 = vector.shape_cast %get3A_9 : vector<16xi32> to vector<16xi32>
    %get3A_11 = arith.constant 0 : index
    %get3A_12 = tpu.vector_load %arg9[%get3A_11] {strides = array<i32>} : memref<256xi32, #tpu.memory_space<vmem>>, vector<16xi32>,
    %get3A_13 = vector.shape_cast %get3A_12 : vector<16xi32> to vector<16xi32>
    %get3A_14 = arith.constant 0 : index
    %get3A_15 = tpu.vector_load %arg10[%get3A_14] {strides = array<i32>} : memref<256xi32, #tpu.memory_space<vmem>>, vector<16xi32>,
    %get3A_16 = vector.shape_cast %get3A_15 : vector<16xi32> to vector<16xi32>
    %get3A_17 = arith.constant 0 : index
    %get3A_18 = tpu.vector_load %arg11[%get3A_17] {strides = array<i32>} : memref<256xi32, #tpu.memory_space<vmem>>, vector<16xi32>,
    %get3A_19 = vector.shape_cast %get3A_18 : vector<16xi32> to vector<16xi32>
    %iota3A = tpu.iota {dimensions = array<i32: 0>} : vector<16xi32>
    %add3A_20 = arith.constant 0 : i32
    %add3A_21 = arith.addi %mul3A_2, %add3A_20 : i32
    %add3A_22 = vector.broadcast %add3A_21 : i32 to vector<16xi32>
    %add3A_23 = arith.addi %iota3A, %add3A_22 : vector<16xi32>
    %gt3A = arith.constant 0 : i32
    %gt3A_24 = vector.broadcast %gt3A : i32 to vector<16xi32>
    %gt3A_25 = arith.cmpi sgt, %get3A_13, %gt3A_24 : vector<16xi32>
    %gt3A_26 = arith.constant 0 : i32
    %gt3A_27 = vector.broadcast %gt3A_26 : i32 to vector<16xi32>
    %gt3A_28 = arith.cmpi sgt, %get3A_19, %gt3A_27 : vector<16xi32>
    %and3A = arith.andi %gt3A_25, %gt3A_28 : vector<16xi1>
    %eq3A = arith.cmpi eq, %get3A_16, %add3A_23 : vector<16xi32>
    %and3A_29 = arith.andi %and3A, %eq3A : vector<16xi1>
    %jit3A = arith.constant -1 : i32
    %broadcast_in_dim3A = vector.broadcast %jit3A : i32 to vector<16xi32>
    %select_n3A = arith.select %and3A_29, %get3A_10, %broadcast_in_dim3A : vector<16xi1>, vector<16xi32>
    %swap3A = arith.constant 0 : index
    %swap3A_30 = tpu.vector_load %arg12[%swap3A] {strides = array<i32>} : memref<256xi32, #tpu.memory_space<vmem>>, vector<16xi32>,
    %swap3A_31 = vector.shape_cast %swap3A_30 : vector<16xi32> to vector<16xi32>
    %swap3A_32 = vector.shape_cast %select_n3A : vector<16xi32> to vector<16xi32>
    tpu.vector_store %arg12[%swap3A], %swap3A_32 {strides = array<i32>} : memref<256xi32, #tpu.memory_space<vmem>>, vector<16xi32>,
    %gt3A_33 = arith.constant 0 : i32
    %gt3A_34 = vector.broadcast %gt3A_33 : i32 to vector<16xi32>
    %gt3A_35 = arith.cmpi sgt, %select_n3A, %gt3A_34 : vector<16xi32>
    %jit3A_36 = arith.constant 1 : i32
    %jit3A_37 = arith.constant 0 : i32
    %broadcast_in_dim3A_38 = vector.broadcast %jit3A_36 : i32 to vector<16xi32>
    %broadcast_in_dim3A_39 = vector.broadcast %jit3A_37 : i32 to vector<16xi32>
    %select_n3A_40 = arith.select %gt3A_35, %broadcast_in_dim3A_38, %broadcast_in_dim3A_39 : vector<16xi1>, vector<16xi32>
    %swap3A_41 = arith.constant 0 : index
    %swap3A_42 = tpu.vector_load %arg13[%swap3A_41] {strides = array<i32>} : memref<256xi32, #tpu.memory_space<vmem>>, vector<16xi32>,
    %swap3A_43 = vector.shape_cast %swap3A_42 : vector<16xi32> to vector<16xi32>
    %swap3A_44 = vector.shape_cast %select_n3A_40 : vector<16xi32> to vector<16xi32>
    tpu.vector_store %arg13[%swap3A_41], %swap3A_44 {strides = array<i32>} : memref<256xi32, #tpu.memory_space<vmem>>, vector<16xi32>,
    %get3A_45 = arith.constant 16 : index
    %get3A_46 = tpu.vector_load %arg8[%get3A_45] {strides = array<i32>} : memref<256xi32, #tpu.memory_space<vmem>>, vector<16xi32>,
    %get3A_47 = vector.shape_cast %get3A_46 : vector<16xi32> to vector<16xi32>
    %get3A_48 = arith.constant 16 : index
    %get3A_49 = tpu.vector_load %arg9[%get3A_48] {strides = array<i32>} : memref<256xi32, #tpu.memory_space<vmem>>, vector<16xi32>,
    %get3A_50 = vector.shape_cast %get3A_49 : vector<16xi32> to vector<16xi32>
    %get3A_51 = arith.constant 16 : index
    %get3A_52 = tpu.vector_load %arg10[%get3A_51] {strides = array<i32>} : memref<256xi32, #tpu.memory_space<vmem>>, vector<16xi32>,
    %get3A_53 = vector.shape_cast %get3A_52 : vector<16xi32> to vector<16xi32>
    %get3A_54 = arith.constant 16 : index
    %get3A_55 = tpu.vector_load %arg11[%get3A_54] {strides = array<i32>} : memref<256xi32, #tpu.memory_space<vmem>>, vector<16xi32>,
    %get3A_56 = vector.shape_cast %get3A_55 : vector<16xi32> to vector<16xi32>
    %iota3A_57 = tpu.iota {dimensions = array<i32: 0>} : vector<16xi32>
    %add3A_58 = arith.constant 16 : i32
    %add3A_59 = arith.addi %mul3A_2, %add3A_58 : i32
    %add3A_60 = vector.broadcast %add3A_59 : i32 to vector<16xi32>
    %add3A_61 = arith.addi %iota3A_57, %add3A_60 : vector<16xi32>
    %gt3A_62 = arith.constant 0 : i32
    %gt3A_63 = vector.broadcast %gt3A_62 : i32 to vector<16xi32>
    %gt3A_64 = arith.cmpi sgt, %get3A_50, %gt3A_63 : vector<16xi32>
    %gt3A_65 = arith.constant 0 : i32
    %gt3A_66 = vector.broadcast %gt3A_65 : i32 to vector<16xi32>
    %gt3A_67 = arith.cmpi sgt, %get3A_56, %gt3A_66 : vector<16xi32>
    %and3A_68 = arith.andi %gt3A_64, %gt3A_67 : vector<16xi1>
    %eq3A_69 = arith.cmpi eq, %get3A_53, %add3A_61 : vector<16xi32>
    %and3A_70 = arith.andi %and3A_68, %eq3A_69 : vector<16xi1>
    %jit3A_71 = arith.constant -1 : i32
    %broadcast_in_dim3A_72 = vector.broadcast %jit3A_71 : i32 to vector<16xi32>
    %select_n3A_73 = arith.select %and3A_70, %get3A_47, %broadcast_in_dim3A_72 : vector<16xi1>, vector<16xi32>
    %swap3A_74 = arith.constant 16 : index
    %swap3A_75 = tpu.vector_load %arg12[%swap3A_74] {strides = array<i32>} : memref<256xi32, #tpu.memory_space<vmem>>, vector<16xi32>,
    %swap3A_76 = vector.shape_cast %swap3A_75 : vector<16xi32> to vector<16xi32>
    %swap3A_77 = vector.shape_cast %select_n3A_73 : vector<16xi32> to vector<16xi32>
    tpu.vector_store %arg12[%swap3A_74], %swap3A_77 {strides = array<i32>} : memref<256xi32, #tpu.memory_space<vmem>>, vector<16xi32>,
    %gt3A_78 = arith.constant 0 : i32
    %gt3A_79 = vector.broadcast %gt3A_78 : i32 to vector<16xi32>
    %gt3A_80 = arith.cmpi sgt, %select_n3A_73, %gt3A_79 : vector<16xi32>
    %jit3A_81 = arith.constant 1 : i32
    %jit3A_82 = arith.constant 0 : i32
    %broadcast_in_dim3A_83 = vector.broadcast %jit3A_81 : i32 to vector<16xi32>
    %broadcast_in_dim3A_84 = vector.broadcast %jit3A_82 : i32 to vector<16xi32>
    %select_n3A_85 = arith.select %gt3A_80, %broadcast_in_dim3A_83, %broadcast_in_dim3A_84 : vector<16xi1>, vector<16xi32>
    %swap3A_86 = arith.constant 16 : index
    %swap3A_87 = tpu.vector_load %arg13[%swap3A_86] {strides = array<i32>} : memref<256xi32, #tpu.memory_space<vmem>>, vector<16xi32>,
    %swap3A_88 = vector.shape_cast %swap3A_87 : vector<16xi32> to vector<16xi32>
    %swap3A_89 = vector.shape_cast %select_n3A_85 : vector<16xi32> to vector<16xi32>
    tpu.vector_store %arg13[%swap3A_86], %swap3A_89 {strides = array<i32>} : memref<256xi32, #tpu.memory_space<vmem>>, vector<16xi32>,
    %get3A_90 = arith.constant 32 : index
    %get3A_91 = tpu.vector_load %arg8[%get3A_90] {strides = array<i32>} : memref<256xi32, #tpu.memory_space<vmem>>, vector<16xi32>,
    %get3A_92 = vector.shape_cast %get3A_91 : vector<16xi32> to vector<16xi32>
    %get3A_93 = arith.constant 32 : index
    %get3A_94 = tpu.vector_load %arg9[%get3A_93] {strides = array<i32>} : memref<256xi32, #tpu.memory_space<vmem>>, vector<16xi32>,
    %get3A_95 = vector.shape_cast %get3A_94 : vector<16xi32> to vector<16xi32>
    %get3A_96 = arith.constant 32 : index
    %get3A_97 = tpu.vector_load %arg10[%get3A_96] {strides = array<i32>} : memref<256xi32, #tpu.memory_space<vmem>>, vector<16xi32>,
    %get3A_98 = vector.shape_cast %get3A_97 : vector<16xi32> to vector<16xi32>
    %get3A_99 = arith.constant 32 : index
    %get3A_100 = tpu.vector_load %arg11[%get3A_99] {strides = array<i32>} : memref<256xi32, #tpu.memory_space<vmem>>, vector<16xi32>,
    %get3A_101 = vector.shape_cast %get3A_100 : vector<16xi32> to vector<16xi32>
    %iota3A_102 = tpu.iota {dimensions = array<i32: 0>} : vector<16xi32>
    %add3A_103 = arith.constant 32 : i32
    %add3A_104 = arith.addi %mul3A_2, %add3A_103 : i32
    %add3A_105 = vector.broadcast %add3A_104 : i32 to vector<16xi32>
    %add3A_106 = arith.addi %iota3A_102, %add3A_105 : vector<16xi32>
    %gt3A_107 = arith.constant 0 : i32
    %gt3A_108 = vector.broadcast %gt3A_107 : i32 to vector<16xi32>
    %gt3A_109 = arith.cmpi sgt, %get3A_95, %gt3A_108 : vector<16xi32>
    %gt3A_110 = arith.constant 0 : i32
    %gt3A_111 = vector.broadcast %gt3A_110 : i32 to vector<16xi32>
    %gt3A_112 = arith.cmpi sgt, %get3A_101, %gt3A_111 : vector<16xi32>
    %and3A_113 = arith.andi %gt3A_109, %gt3A_112 : vector<16xi1>
    %eq3A_114 = arith.cmpi eq, %get3A_98, %add3A_106 : vector<16xi32>
    %and3A_115 = arith.andi %and3A_113, %eq3A_114 : vector<16xi1>
    %jit3A_116 = arith.constant -1 : i32
    %broadcast_in_dim3A_117 = vector.broadcast %jit3A_116 : i32 to vector<16xi32>
    %select_n3A_118 = arith.select %and3A_115, %get3A_92, %broadcast_in_dim3A_117 : vector<16xi1>, vector<16xi32>
    %swap3A_119 = arith.constant 32 : index
    %swap3A_120 = tpu.vector_load %arg12[%swap3A_119] {strides = array<i32>} : memref<256xi32, #tpu.memory_space<vmem>>, vector<16xi32>,
    %swap3A_121 = vector.shape_cast %swap3A_120 : vector<16xi32> to vector<16xi32>
    %swap3A_122 = vector.shape_cast %select_n3A_118 : vector<16xi32> to vector<16xi32>
    tpu.vector_store %arg12[%swap3A_119], %swap3A_122 {strides = array<i32>} : memref<256xi32, #tpu.memory_space<vmem>>, vector<16xi32>,
    %gt3A_123 = arith.constant 0 : i32
    %gt3A_124 = vector.broadcast %gt3A_123 : i32 to vector<16xi32>
    %gt3A_125 = arith.cmpi sgt, %select_n3A_118, %gt3A_124 : vector<16xi32>
    %jit3A_126 = arith.constant 1 : i32
    %jit3A_127 = arith.constant 0 : i32
    %broadcast_in_dim3A_128 = vector.broadcast %jit3A_126 : i32 to vector<16xi32>
    %broadcast_in_dim3A_129 = vector.broadcast %jit3A_127 : i32 to vector<16xi32>
    %select_n3A_130 = arith.select %gt3A_125, %broadcast_in_dim3A_128, %broadcast_in_dim3A_129 : vector<16xi1>, vector<16xi32>
    %swap3A_131 = arith.constant 32 : index
    %swap3A_132 = tpu.vector_load %arg13[%swap3A_131] {strides = array<i32>} : memref<256xi32, #tpu.memory_space<vmem>>, vector<16xi32>,
    %swap3A_133 = vector.shape_cast %swap3A_132 : vector<16xi32> to vector<16xi32>
    %swap3A_134 = vector.shape_cast %select_n3A_130 : vector<16xi32> to vector<16xi32>
    tpu.vector_store %arg13[%swap3A_131], %swap3A_134 {strides = array<i32>} : memref<256xi32, #tpu.memory_space<vmem>>, vector<16xi32>,
    %get3A_135 = arith.constant 48 : index
    %get3A_136 = tpu.vector_load %arg8[%get3A_135] {strides = array<i32>} : memref<256xi32, #tpu.memory_space<vmem>>, vector<16xi32>,
    %get3A_137 = vector.shape_cast %get3A_136 : vector<16xi32> to vector<16xi32>
    %get3A_138 = arith.constant 48 : index
    %get3A_139 = tpu.vector_load %arg9[%get3A_138] {strides = array<i32>} : memref<256xi32, #tpu.memory_space<vmem>>, vector<16xi32>,
    %get3A_140 = vector.shape_cast %get3A_139 : vector<16xi32> to vector<16xi32>
    %get3A_141 = arith.constant 48 : index
    %get3A_142 = tpu.vector_load %arg10[%get3A_141] {strides = array<i32>} : memref<256xi32, #tpu.memory_space<vmem>>, vector<16xi32>,
    %get3A_143 = vector.shape_cast %get3A_142 : vector<16xi32> to vector<16xi32>
    %get3A_144 = arith.constant 48 : index
    %get3A_145 = tpu.vector_load %arg11[%get3A_144] {strides = array<i32>} : memref<256xi32, #tpu.memory_space<vmem>>, vector<16xi32>,
    %get3A_146 = vector.shape_cast %get3A_145 : vector<16xi32> to vector<16xi32>
    %iota3A_147 = tpu.iota {dimensions = array<i32: 0>} : vector<16xi32>
    %add3A_148 = arith.constant 48 : i32
    %add3A_149 = arith.addi %mul3A_2, %add3A_148 : i32
    %add3A_150 = vector.broadcast %add3A_149 : i32 to vector<16xi32>
    %add3A_151 = arith.addi %iota3A_147, %add3A_150 : vector<16xi32>
    %gt3A_152 = arith.constant 0 : i32
    %gt3A_153 = vector.broadcast %gt3A_152 : i32 to vector<16xi32>
    %gt3A_154 = arith.cmpi sgt, %get3A_140, %gt3A_153 : vector<16xi32>
    %gt3A_155 = arith.constant 0 : i32
    %gt3A_156 = vector.broadcast %gt3A_155 : i32 to vector<16xi32>
    %gt3A_157 = arith.cmpi sgt, %get3A_146, %gt3A_156 : vector<16xi32>
    %and3A_158 = arith.andi %gt3A_154, %gt3A_157 : vector<16xi1>
    %eq3A_159 = arith.cmpi eq, %get3A_143, %add3A_151 : vector<16xi32>
    %and3A_160 = arith.andi %and3A_158, %eq3A_159 : vector<16xi1>
    %jit3A_161 = arith.constant -1 : i32
    %broadcast_in_dim3A_162 = vector.broadcast %jit3A_161 : i32 to vector<16xi32>
    %select_n3A_163 = arith.select %and3A_160, %get3A_137, %broadcast_in_dim3A_162 : vector<16xi1>, vector<16xi32>
    %swap3A_164 = arith.constant 48 : index
    %swap3A_165 = tpu.vector_load %arg12[%swap3A_164] {strides = array<i32>} : memref<256xi32, #tpu.memory_space<vmem>>, vector<16xi32>,
    %swap3A_166 = vector.shape_cast %swap3A_165 : vector<16xi32> to vector<16xi32>
    %swap3A_167 = vector.shape_cast %select_n3A_163 : vector<16xi32> to vector<16xi32>
    tpu.vector_store %arg12[%swap3A_164], %swap3A_167 {strides = array<i32>} : memref<256xi32, #tpu.memory_space<vmem>>, vector<16xi32>,
    %gt3A_168 = arith.constant 0 : i32
    %gt3A_169 = vector.broadcast %gt3A_168 : i32 to vector<16xi32>
    %gt3A_170 = arith.cmpi sgt, %select_n3A_163, %gt3A_169 : vector<16xi32>
    %jit3A_171 = arith.constant 1 : i32
    %jit3A_172 = arith.constant 0 : i32
    %broadcast_in_dim3A_173 = vector.broadcast %jit3A_171 : i32 to vector<16xi32>
    %broadcast_in_dim3A_174 = vector.broadcast %jit3A_172 : i32 to vector<16xi32>
    %select_n3A_175 = arith.select %gt3A_170, %broadcast_in_dim3A_173, %broadcast_in_dim3A_174 : vector<16xi1>, vector<16xi32>
    %swap3A_176 = arith.constant 48 : index
    %swap3A_177 = tpu.vector_load %arg13[%swap3A_176] {strides = array<i32>} : memref<256xi32, #tpu.memory_space<vmem>>, vector<16xi32>,
    %swap3A_178 = vector.shape_cast %swap3A_177 : vector<16xi32> to vector<16xi32>
    %swap3A_179 = vector.shape_cast %select_n3A_175 : vector<16xi32> to vector<16xi32>
    tpu.vector_store %arg13[%swap3A_176], %swap3A_179 {strides = array<i32>} : memref<256xi32, #tpu.memory_space<vmem>>, vector<16xi32>,
    %get3A_180 = arith.constant 64 : index
    %get3A_181 = tpu.vector_load %arg8[%get3A_180] {strides = array<i32>} : memref<256xi32, #tpu.memory_space<vmem>>, vector<16xi32>,
    %get3A_182 = vector.shape_cast %get3A_181 : vector<16xi32> to vector<16xi32>
    %get3A_183 = arith.constant 64 : index
    %get3A_184 = tpu.vector_load %arg9[%get3A_183] {strides = array<i32>} : memref<256xi32, #tpu.memory_space<vmem>>, vector<16xi32>,
    %get3A_185 = vector.shape_cast %get3A_184 : vector<16xi32> to vector<16xi32>
    %get3A_186 = arith.constant 64 : index
    %get3A_187 = tpu.vector_load %arg10[%get3A_186] {strides = array<i32>} : memref<256xi32, #tpu.memory_space<vmem>>, vector<16xi32>,
    %get3A_188 = vector.shape_cast %get3A_187 : vector<16xi32> to vector<16xi32>
    %get3A_189 = arith.constant 64 : index
    %get3A_190 = tpu.vector_load %arg11[%get3A_189] {strides = array<i32>} : memref<256xi32, #tpu.memory_space<vmem>>, vector<16xi32>,
    %get3A_191 = vector.shape_cast %get3A_190 : vector<16xi32> to vector<16xi32>
    %iota3A_192 = tpu.iota {dimensions = array<i32: 0>} : vector<16xi32>
    %add3A_193 = arith.constant 64 : i32
    %add3A_194 = arith.addi %mul3A_2, %add3A_193 : i32
    %add3A_195 = vector.broadcast %add3A_194 : i32 to vector<16xi32>
    %add3A_196 = arith.addi %iota3A_192, %add3A_195 : vector<16xi32>
    %gt3A_197 = arith.constant 0 : i32
    %gt3A_198 = vector.broadcast %gt3A_197 : i32 to vector<16xi32>
    %gt3A_199 = arith.cmpi sgt, %get3A_185, %gt3A_198 : vector<16xi32>
    %gt3A_200 = arith.constant 0 : i32
    %gt3A_201 = vector.broadcast %gt3A_200 : i32 to vector<16xi32>
    %gt3A_202 = arith.cmpi sgt, %get3A_191, %gt3A_201 : vector<16xi32>
    %and3A_203 = arith.andi %gt3A_199, %gt3A_202 : vector<16xi1>
    %eq3A_204 = arith.cmpi eq, %get3A_188, %add3A_196 : vector<16xi32>
    %and3A_205 = arith.andi %and3A_203, %eq3A_204 : vector<16xi1>
    %jit3A_206 = arith.constant -1 : i32
    %broadcast_in_dim3A_207 = vector.broadcast %jit3A_206 : i32 to vector<16xi32>
    %select_n3A_208 = arith.select %and3A_205, %get3A_182, %broadcast_in_dim3A_207 : vector<16xi1>, vector<16xi32>
    %swap3A_209 = arith.constant 64 : index
    %swap3A_210 = tpu.vector_load %arg12[%swap3A_209] {strides = array<i32>} : memref<256xi32, #tpu.memory_space<vmem>>, vector<16xi32>,
    %swap3A_211 = vector.shape_cast %swap3A_210 : vector<16xi32> to vector<16xi32>
    %swap3A_212 = vector.shape_cast %select_n3A_208 : vector<16xi32> to vector<16xi32>
    tpu.vector_store %arg12[%swap3A_209], %swap3A_212 {strides = array<i32>} : memref<256xi32, #tpu.memory_space<vmem>>, vector<16xi32>,
    %gt3A_213 = arith.constant 0 : i32
    %gt3A_214 = vector.broadcast %gt3A_213 : i32 to vector<16xi32>
    %gt3A_215 = arith.cmpi sgt, %select_n3A_208, %gt3A_214 : vector<16xi32>
    %jit3A_216 = arith.constant 1 : i32
    %jit3A_217 = arith.constant 0 : i32
    %broadcast_in_dim3A_218 = vector.broadcast %jit3A_216 : i32 to vector<16xi32>
    %broadcast_in_dim3A_219 = vector.broadcast %jit3A_217 : i32 to vector<16xi32>
    %select_n3A_220 = arith.select %gt3A_215, %broadcast_in_dim3A_218, %broadcast_in_dim3A_219 : vector<16xi1>, vector<16xi32>
    %swap3A_221 = arith.constant 64 : index
    %swap3A_222 = tpu.vector_load %arg13[%swap3A_221] {strides = array<i32>} : memref<256xi32, #tpu.memory_space<vmem>>, vector<16xi32>,
    %swap3A_223 = vector.shape_cast %swap3A_222 : vector<16xi32> to vector<16xi32>
    %swap3A_224 = vector.shape_cast %select_n3A_220 : vector<16xi32> to vector<16xi32>
    tpu.vector_store %arg13[%swap3A_221], %swap3A_224 {strides = array<i32>} : memref<256xi32, #tpu.memory_space<vmem>>, vector<16xi32>,
    %get3A_225 = arith.constant 80 : index
    %get3A_226 = tpu.vector_load %arg8[%get3A_225] {strides = array<i32>} : memref<256xi32, #tpu.memory_space<vmem>>, vector<16xi32>,
    %get3A_227 = vector.shape_cast %get3A_226 : vector<16xi32> to vector<16xi32>
    %get3A_228 = arith.constant 80 : index
    %get3A_229 = tpu.vector_load %arg9[%get3A_228] {strides = array<i32>} : memref<256xi32, #tpu.memory_space<vmem>>, vector<16xi32>,
    %get3A_230 = vector.shape_cast %get3A_229 : vector<16xi32> to vector<16xi32>
    %get3A_231 = arith.constant 80 : index
    %get3A_232 = tpu.vector_load %arg10[%get3A_231] {strides = array<i32>} : memref<256xi32, #tpu.memory_space<vmem>>, vector<16xi32>,
    %get3A_233 = vector.shape_cast %get3A_232 : vector<16xi32> to vector<16xi32>
    %get3A_234 = arith.constant 80 : index
    %get3A_235 = tpu.vector_load %arg11[%get3A_234] {strides = array<i32>} : memref<256xi32, #tpu.memory_space<vmem>>, vector<16xi32>,
    %get3A_236 = vector.shape_cast %get3A_235 : vector<16xi32> to vector<16xi32>
    %iota3A_237 = tpu.iota {dimensions = array<i32: 0>} : vector<16xi32>
    %add3A_238 = arith.constant 80 : i32
    %add3A_239 = arith.addi %mul3A_2, %add3A_238 : i32
    %add3A_240 = vector.broadcast %add3A_239 : i32 to vector<16xi32>
    %add3A_241 = arith.addi %iota3A_237, %add3A_240 : vector<16xi32>
    %gt3A_242 = arith.constant 0 : i32
    %gt3A_243 = vector.broadcast %gt3A_242 : i32 to vector<16xi32>
    %gt3A_244 = arith.cmpi sgt, %get3A_230, %gt3A_243 : vector<16xi32>
    %gt3A_245 = arith.constant 0 : i32
    %gt3A_246 = vector.broadcast %gt3A_245 : i32 to vector<16xi32>
    %gt3A_247 = arith.cmpi sgt, %get3A_236, %gt3A_246 : vector<16xi32>
    %and3A_248 = arith.andi %gt3A_244, %gt3A_247 : vector<16xi1>
    %eq3A_249 = arith.cmpi eq, %get3A_233, %add3A_241 : vector<16xi32>
    %and3A_250 = arith.andi %and3A_248, %eq3A_249 : vector<16xi1>
    %jit3A_251 = arith.constant -1 : i32
    %broadcast_in_dim3A_252 = vector.broadcast %jit3A_251 : i32 to vector<16xi32>
    %select_n3A_253 = arith.select %and3A_250, %get3A_227, %broadcast_in_dim3A_252 : vector<16xi1>, vector<16xi32>
    %swap3A_254 = arith.constant 80 : index
    %swap3A_255 = tpu.vector_load %arg12[%swap3A_254] {strides = array<i32>} : memref<256xi32, #tpu.memory_space<vmem>>, vector<16xi32>,
    %swap3A_256 = vector.shape_cast %swap3A_255 : vector<16xi32> to vector<16xi32>
    %swap3A_257 = vector.shape_cast %select_n3A_253 : vector<16xi32> to vector<16xi32>
    tpu.vector_store %arg12[%swap3A_254], %swap3A_257 {strides = array<i32>} : memref<256xi32, #tpu.memory_space<vmem>>, vector<16xi32>,
    %gt3A_258 = arith.constant 0 : i32
    %gt3A_259 = vector.broadcast %gt3A_258 : i32 to vector<16xi32>
    %gt3A_260 = arith.cmpi sgt, %select_n3A_253, %gt3A_259 : vector<16xi32>
    %jit3A_261 = arith.constant 1 : i32
    %jit3A_262 = arith.constant 0 : i32
    %broadcast_in_dim3A_263 = vector.broadcast %jit3A_261 : i32 to vector<16xi32>
    %broadcast_in_dim3A_264 = vector.broadcast %jit3A_262 : i32 to vector<16xi32>
    %select_n3A_265 = arith.select %gt3A_260, %broadcast_in_dim3A_263, %broadcast_in_dim3A_264 : vector<16xi1>, vector<16xi32>
    %swap3A_266 = arith.constant 80 : index
    %swap3A_267 = tpu.vector_load %arg13[%swap3A_266] {strides = array<i32>} : memref<256xi32, #tpu.memory_space<vmem>>, vector<16xi32>,
    %swap3A_268 = vector.shape_cast %swap3A_267 : vector<16xi32> to vector<16xi32>
    %swap3A_269 = vector.shape_cast %select_n3A_265 : vector<16xi32> to vector<16xi32>
    tpu.vector_store %arg13[%swap3A_266], %swap3A_269 {strides = array<i32>} : memref<256xi32, #tpu.memory_space<vmem>>, vector<16xi32>,
    %get3A_270 = arith.constant 96 : index
    %get3A_271 = tpu.vector_load %arg8[%get3A_270] {strides = array<i32>} : memref<256xi32, #tpu.memory_space<vmem>>, vector<16xi32>,
    %get3A_272 = vector.shape_cast %get3A_271 : vector<16xi32> to vector<16xi32>
    %get3A_273 = arith.constant 96 : index
    %get3A_274 = tpu.vector_load %arg9[%get3A_273] {strides = array<i32>} : memref<256xi32, #tpu.memory_space<vmem>>, vector<16xi32>,
    %get3A_275 = vector.shape_cast %get3A_274 : vector<16xi32> to vector<16xi32>
    %get3A_276 = arith.constant 96 : index
    %get3A_277 = tpu.vector_load %arg10[%get3A_276] {strides = array<i32>} : memref<256xi32, #tpu.memory_space<vmem>>, vector<16xi32>,
    %get3A_278 = vector.shape_cast %get3A_277 : vector<16xi32> to vector<16xi32>
    %get3A_279 = arith.constant 96 : index
    %get3A_280 = tpu.vector_load %arg11[%get3A_279] {strides = array<i32>} : memref<256xi32, #tpu.memory_space<vmem>>, vector<16xi32>,
    %get3A_281 = vector.shape_cast %get3A_280 : vector<16xi32> to vector<16xi32>
    %iota3A_282 = tpu.iota {dimensions = array<i32: 0>} : vector<16xi32>
    %add3A_283 = arith.constant 96 : i32
    %add3A_284 = arith.addi %mul3A_2, %add3A_283 : i32
    %add3A_285 = vector.broadcast %add3A_284 : i32 to vector<16xi32>
    %add3A_286 = arith.addi %iota3A_282, %add3A_285 : vector<16xi32>
    %gt3A_287 = arith.constant 0 : i32
    %gt3A_288 = vector.broadcast %gt3A_287 : i32 to vector<16xi32>
    %gt3A_289 = arith.cmpi sgt, %get3A_275, %gt3A_288 : vector<16xi32>
    %gt3A_290 = arith.constant 0 : i32
    %gt3A_291 = vector.broadcast %gt3A_290 : i32 to vector<16xi32>
    %gt3A_292 = arith.cmpi sgt, %get3A_281, %gt3A_291 : vector<16xi32>
    %and3A_293 = arith.andi %gt3A_289, %gt3A_292 : vector<16xi1>
    %eq3A_294 = arith.cmpi eq, %get3A_278, %add3A_286 : vector<16xi32>
    %and3A_295 = arith.andi %and3A_293, %eq3A_294 : vector<16xi1>
    %jit3A_296 = arith.constant -1 : i32
    %broadcast_in_dim3A_297 = vector.broadcast %jit3A_296 : i32 to vector<16xi32>
    %select_n3A_298 = arith.select %and3A_295, %get3A_272, %broadcast_in_dim3A_297 : vector<16xi1>, vector<16xi32>
    %swap3A_299 = arith.constant 96 : index
    %swap3A_300 = tpu.vector_load %arg12[%swap3A_299] {strides = array<i32>} : memref<256xi32, #tpu.memory_space<vmem>>, vector<16xi32>,
    %swap3A_301 = vector.shape_cast %swap3A_300 : vector<16xi32> to vector<16xi32>
    %swap3A_302 = vector.shape_cast %select_n3A_298 : vector<16xi32> to vector<16xi32>
    tpu.vector_store %arg12[%swap3A_299], %swap3A_302 {strides = array<i32>} : memref<256xi32, #tpu.memory_space<vmem>>, vector<16xi32>,
    %gt3A_303 = arith.constant 0 : i32
    %gt3A_304 = vector.broadcast %gt3A_303 : i32 to vector<16xi32>
    %gt3A_305 = arith.cmpi sgt, %select_n3A_298, %gt3A_304 : vector<16xi32>
    %jit3A_306 = arith.constant 1 : i32
    %jit3A_307 = arith.constant 0 : i32
    %broadcast_in_dim3A_308 = vector.broadcast %jit3A_306 : i32 to vector<16xi32>
    %broadcast_in_dim3A_309 = vector.broadcast %jit3A_307 : i32 to vector<16xi32>
    %select_n3A_310 = arith.select %gt3A_305, %broadcast_in_dim3A_308, %broadcast_in_dim3A_309 : vector<16xi1>, vector<16xi32>
    %swap3A_311 = arith.constant 96 : index
    %swap3A_312 = tpu.vector_load %arg13[%swap3A_311] {strides = array<i32>} : memref<256xi32, #tpu.memory_space<vmem>>, vector<16xi32>,
    %swap3A_313 = vector.shape_cast %swap3A_312 : vector<16xi32> to vector<16xi32>
    %swap3A_314 = vector.shape_cast %select_n3A_310 : vector<16xi32> to vector<16xi32>
    tpu.vector_store %arg13[%swap3A_311], %swap3A_314 {strides = array<i32>} : memref<256xi32, #tpu.memory_space<vmem>>, vector<16xi32>,
    %get3A_315 = arith.constant 112 : index
    %get3A_316 = tpu.vector_load %arg8[%get3A_315] {strides = array<i32>} : memref<256xi32, #tpu.memory_space<vmem>>, vector<16xi32>,
    %get3A_317 = vector.shape_cast %get3A_316 : vector<16xi32> to vector<16xi32>
    %get3A_318 = arith.constant 112 : index
    %get3A_319 = tpu.vector_load %arg9[%get3A_318] {strides = array<i32>} : memref<256xi32, #tpu.memory_space<vmem>>, vector<16xi32>,
    %get3A_320 = vector.shape_cast %get3A_319 : vector<16xi32> to vector<16xi32>
    %get3A_321 = arith.constant 112 : index
    %get3A_322 = tpu.vector_load %arg10[%get3A_321] {strides = array<i32>} : memref<256xi32, #tpu.memory_space<vmem>>, vector<16xi32>,
    %get3A_323 = vector.shape_cast %get3A_322 : vector<16xi32> to vector<16xi32>
    %get3A_324 = arith.constant 112 : index
    %get3A_325 = tpu.vector_load %arg11[%get3A_324] {strides = array<i32>} : memref<256xi32, #tpu.memory_space<vmem>>, vector<16xi32>,
    %get3A_326 = vector.shape_cast %get3A_325 : vector<16xi32> to vector<16xi32>
    %iota3A_327 = tpu.iota {dimensions = array<i32: 0>} : vector<16xi32>
    %add3A_328 = arith.constant 112 : i32
    %add3A_329 = arith.addi %mul3A_2, %add3A_328 : i32
    %add3A_330 = vector.broadcast %add3A_329 : i32 to vector<16xi32>
    %add3A_331 = arith.addi %iota3A_327, %add3A_330 : vector<16xi32>
    %gt3A_332 = arith.constant 0 : i32
    %gt3A_333 = vector.broadcast %gt3A_332 : i32 to vector<16xi32>
    %gt3A_334 = arith.cmpi sgt, %get3A_320, %gt3A_333 : vector<16xi32>
    %gt3A_335 = arith.constant 0 : i32
    %gt3A_336 = vector.broadcast %gt3A_335 : i32 to vector<16xi32>
    %gt3A_337 = arith.cmpi sgt, %get3A_326, %gt3A_336 : vector<16xi32>
    %and3A_338 = arith.andi %gt3A_334, %gt3A_337 : vector<16xi1>
    %eq3A_339 = arith.cmpi eq, %get3A_323, %add3A_331 : vector<16xi32>
    %and3A_340 = arith.andi %and3A_338, %eq3A_339 : vector<16xi1>
    %jit3A_341 = arith.constant -1 : i32
    %broadcast_in_dim3A_342 = vector.broadcast %jit3A_341 : i32 to vector<16xi32>
    %select_n3A_343 = arith.select %and3A_340, %get3A_317, %broadcast_in_dim3A_342 : vector<16xi1>, vector<16xi32>
    %swap3A_344 = arith.constant 112 : index
    %swap3A_345 = tpu.vector_load %arg12[%swap3A_344] {strides = array<i32>} : memref<256xi32, #tpu.memory_space<vmem>>, vector<16xi32>,
    %swap3A_346 = vector.shape_cast %swap3A_345 : vector<16xi32> to vector<16xi32>
    %swap3A_347 = vector.shape_cast %select_n3A_343 : vector<16xi32> to vector<16xi32>
    tpu.vector_store %arg12[%swap3A_344], %swap3A_347 {strides = array<i32>} : memref<256xi32, #tpu.memory_space<vmem>>, vector<16xi32>,
    %gt3A_348 = arith.constant 0 : i32
    %gt3A_349 = vector.broadcast %gt3A_348 : i32 to vector<16xi32>
    %gt3A_350 = arith.cmpi sgt, %select_n3A_343, %gt3A_349 : vector<16xi32>
    %jit3A_351 = arith.constant 1 : i32
    %jit3A_352 = arith.constant 0 : i32
    %broadcast_in_dim3A_353 = vector.broadcast %jit3A_351 : i32 to vector<16xi32>
    %broadcast_in_dim3A_354 = vector.broadcast %jit3A_352 : i32 to vector<16xi32>
    %select_n3A_355 = arith.select %gt3A_350, %broadcast_in_dim3A_353, %broadcast_in_dim3A_354 : vector<16xi1>, vector<16xi32>
    %swap3A_356 = arith.constant 112 : index
    %swap3A_357 = tpu.vector_load %arg13[%swap3A_356] {strides = array<i32>} : memref<256xi32, #tpu.memory_space<vmem>>, vector<16xi32>,
    %swap3A_358 = vector.shape_cast %swap3A_357 : vector<16xi32> to vector<16xi32>
    %swap3A_359 = vector.shape_cast %select_n3A_355 : vector<16xi32> to vector<16xi32>
    tpu.vector_store %arg13[%swap3A_356], %swap3A_359 {strides = array<i32>} : memref<256xi32, #tpu.memory_space<vmem>>, vector<16xi32>,
    %get3A_360 = arith.constant 128 : index
    %get3A_361 = tpu.vector_load %arg8[%get3A_360] {strides = array<i32>} : memref<256xi32, #tpu.memory_space<vmem>>, vector<16xi32>,
    %get3A_362 = vector.shape_cast %get3A_361 : vector<16xi32> to vector<16xi32>
    %get3A_363 = arith.constant 128 : index
    %get3A_364 = tpu.vector_load %arg9[%get3A_363] {strides = array<i32>} : memref<256xi32, #tpu.memory_space<vmem>>, vector<16xi32>,
    %get3A_365 = vector.shape_cast %get3A_364 : vector<16xi32> to vector<16xi32>
    %get3A_366 = arith.constant 128 : index
    %get3A_367 = tpu.vector_load %arg10[%get3A_366] {strides = array<i32>} : memref<256xi32, #tpu.memory_space<vmem>>, vector<16xi32>,
    %get3A_368 = vector.shape_cast %get3A_367 : vector<16xi32> to vector<16xi32>
    %get3A_369 = arith.constant 128 : index
    %get3A_370 = tpu.vector_load %arg11[%get3A_369] {strides = array<i32>} : memref<256xi32, #tpu.memory_space<vmem>>, vector<16xi32>,
    %get3A_371 = vector.shape_cast %get3A_370 : vector<16xi32> to vector<16xi32>
    %iota3A_372 = tpu.iota {dimensions = array<i32: 0>} : vector<16xi32>
    %add3A_373 = arith.constant 128 : i32
    %add3A_374 = arith.addi %mul3A_2, %add3A_373 : i32
    %add3A_375 = vector.broadcast %add3A_374 : i32 to vector<16xi32>
    %add3A_376 = arith.addi %iota3A_372, %add3A_375 : vector<16xi32>
    %gt3A_377 = arith.constant 0 : i32
    %gt3A_378 = vector.broadcast %gt3A_377 : i32 to vector<16xi32>
    %gt3A_379 = arith.cmpi sgt, %get3A_365, %gt3A_378 : vector<16xi32>
    %gt3A_380 = arith.constant 0 : i32
    %gt3A_381 = vector.broadcast %gt3A_380 : i32 to vector<16xi32>
    %gt3A_382 = arith.cmpi sgt, %get3A_371, %gt3A_381 : vector<16xi32>
    %and3A_383 = arith.andi %gt3A_379, %gt3A_382 : vector<16xi1>
    %eq3A_384 = arith.cmpi eq, %get3A_368, %add3A_376 : vector<16xi32>
    %and3A_385 = arith.andi %and3A_383, %eq3A_384 : vector<16xi1>
    %jit3A_386 = arith.constant -1 : i32
    %broadcast_in_dim3A_387 = vector.broadcast %jit3A_386 : i32 to vector<16xi32>
    %select_n3A_388 = arith.select %and3A_385, %get3A_362, %broadcast_in_dim3A_387 : vector<16xi1>, vector<16xi32>
    %swap3A_389 = arith.constant 128 : index
    %swap3A_390 = tpu.vector_load %arg12[%swap3A_389] {strides = array<i32>} : memref<256xi32, #tpu.memory_space<vmem>>, vector<16xi32>,
    %swap3A_391 = vector.shape_cast %swap3A_390 : vector<16xi32> to vector<16xi32>
    %swap3A_392 = vector.shape_cast %select_n3A_388 : vector<16xi32> to vector<16xi32>
    tpu.vector_store %arg12[%swap3A_389], %swap3A_392 {strides = array<i32>} : memref<256xi32, #tpu.memory_space<vmem>>, vector<16xi32>,
    %gt3A_393 = arith.constant 0 : i32
    %gt3A_394 = vector.broadcast %gt3A_393 : i32 to vector<16xi32>
    %gt3A_395 = arith.cmpi sgt, %select_n3A_388, %gt3A_394 : vector<16xi32>
    %jit3A_396 = arith.constant 1 : i32
    %jit3A_397 = arith.constant 0 : i32
    %broadcast_in_dim3A_398 = vector.broadcast %jit3A_396 : i32 to vector<16xi32>
    %broadcast_in_dim3A_399 = vector.broadcast %jit3A_397 : i32 to vector<16xi32>
    %select_n3A_400 = arith.select %gt3A_395, %broadcast_in_dim3A_398, %broadcast_in_dim3A_399 : vector<16xi1>, vector<16xi32>
    %swap3A_401 = arith.constant 128 : index
    %swap3A_402 = tpu.vector_load %arg13[%swap3A_401] {strides = array<i32>} : memref<256xi32, #tpu.memory_space<vmem>>, vector<16xi32>,
    %swap3A_403 = vector.shape_cast %swap3A_402 : vector<16xi32> to vector<16xi32>
    %swap3A_404 = vector.shape_cast %select_n3A_400 : vector<16xi32> to vector<16xi32>
    tpu.vector_store %arg13[%swap3A_401], %swap3A_404 {strides = array<i32>} : memref<256xi32, #tpu.memory_space<vmem>>, vector<16xi32>,
    %get3A_405 = arith.constant 144 : index
    %get3A_406 = tpu.vector_load %arg8[%get3A_405] {strides = array<i32>} : memref<256xi32, #tpu.memory_space<vmem>>, vector<16xi32>,
    %get3A_407 = vector.shape_cast %get3A_406 : vector<16xi32> to vector<16xi32>
    %get3A_408 = arith.constant 144 : index
    %get3A_409 = tpu.vector_load %arg9[%get3A_408] {strides = array<i32>} : memref<256xi32, #tpu.memory_space<vmem>>, vector<16xi32>,
    %get3A_410 = vector.shape_cast %get3A_409 : vector<16xi32> to vector<16xi32>
    %get3A_411 = arith.constant 144 : index
    %get3A_412 = tpu.vector_load %arg10[%get3A_411] {strides = array<i32>} : memref<256xi32, #tpu.memory_space<vmem>>, vector<16xi32>,
    %get3A_413 = vector.shape_cast %get3A_412 : vector<16xi32> to vector<16xi32>
    %get3A_414 = arith.constant 144 : index
    %get3A_415 = tpu.vector_load %arg11[%get3A_414] {strides = array<i32>} : memref<256xi32, #tpu.memory_space<vmem>>, vector<16xi32>,
    %get3A_416 = vector.shape_cast %get3A_415 : vector<16xi32> to vector<16xi32>
    %iota3A_417 = tpu.iota {dimensions = array<i32: 0>} : vector<16xi32>
    %add3A_418 = arith.constant 144 : i32
    %add3A_419 = arith.addi %mul3A_2, %add3A_418 : i32
    %add3A_420 = vector.broadcast %add3A_419 : i32 to vector<16xi32>
    %add3A_421 = arith.addi %iota3A_417, %add3A_420 : vector<16xi32>
    %gt3A_422 = arith.constant 0 : i32
    %gt3A_423 = vector.broadcast %gt3A_422 : i32 to vector<16xi32>
    %gt3A_424 = arith.cmpi sgt, %get3A_410, %gt3A_423 : vector<16xi32>
    %gt3A_425 = arith.constant 0 : i32
    %gt3A_426 = vector.broadcast %gt3A_425 : i32 to vector<16xi32>
    %gt3A_427 = arith.cmpi sgt, %get3A_416, %gt3A_426 : vector<16xi32>
    %and3A_428 = arith.andi %gt3A_424, %gt3A_427 : vector<16xi1>
    %eq3A_429 = arith.cmpi eq, %get3A_413, %add3A_421 : vector<16xi32>
    %and3A_430 = arith.andi %and3A_428, %eq3A_429 : vector<16xi1>
    %jit3A_431 = arith.constant -1 : i32
    %broadcast_in_dim3A_432 = vector.broadcast %jit3A_431 : i32 to vector<16xi32>
    %select_n3A_433 = arith.select %and3A_430, %get3A_407, %broadcast_in_dim3A_432 : vector<16xi1>, vector<16xi32>
    %swap3A_434 = arith.constant 144 : index
    %swap3A_435 = tpu.vector_load %arg12[%swap3A_434] {strides = array<i32>} : memref<256xi32, #tpu.memory_space<vmem>>, vector<16xi32>,
    %swap3A_436 = vector.shape_cast %swap3A_435 : vector<16xi32> to vector<16xi32>
    %swap3A_437 = vector.shape_cast %select_n3A_433 : vector<16xi32> to vector<16xi32>
    tpu.vector_store %arg12[%swap3A_434], %swap3A_437 {strides = array<i32>} : memref<256xi32, #tpu.memory_space<vmem>>, vector<16xi32>,
    %gt3A_438 = arith.constant 0 : i32
    %gt3A_439 = vector.broadcast %gt3A_438 : i32 to vector<16xi32>
    %gt3A_440 = arith.cmpi sgt, %select_n3A_433, %gt3A_439 : vector<16xi32>
    %jit3A_441 = arith.constant 1 : i32
    %jit3A_442 = arith.constant 0 : i32
    %broadcast_in_dim3A_443 = vector.broadcast %jit3A_441 : i32 to vector<16xi32>
    %broadcast_in_dim3A_444 = vector.broadcast %jit3A_442 : i32 to vector<16xi32>
    %select_n3A_445 = arith.select %gt3A_440, %broadcast_in_dim3A_443, %broadcast_in_dim3A_444 : vector<16xi1>, vector<16xi32>
    %swap3A_446 = arith.constant 144 : index
    %swap3A_447 = tpu.vector_load %arg13[%swap3A_446] {strides = array<i32>} : memref<256xi32, #tpu.memory_space<vmem>>, vector<16xi32>,
    %swap3A_448 = vector.shape_cast %swap3A_447 : vector<16xi32> to vector<16xi32>
    %swap3A_449 = vector.shape_cast %select_n3A_445 : vector<16xi32> to vector<16xi32>
    tpu.vector_store %arg13[%swap3A_446], %swap3A_449 {strides = array<i32>} : memref<256xi32, #tpu.memory_space<vmem>>, vector<16xi32>,
    %get3A_450 = arith.constant 160 : index
    %get3A_451 = tpu.vector_load %arg8[%get3A_450] {strides = array<i32>} : memref<256xi32, #tpu.memory_space<vmem>>, vector<16xi32>,
    %get3A_452 = vector.shape_cast %get3A_451 : vector<16xi32> to vector<16xi32>
    %get3A_453 = arith.constant 160 : index
    %get3A_454 = tpu.vector_load %arg9[%get3A_453] {strides = array<i32>} : memref<256xi32, #tpu.memory_space<vmem>>, vector<16xi32>,
    %get3A_455 = vector.shape_cast %get3A_454 : vector<16xi32> to vector<16xi32>
    %get3A_456 = arith.constant 160 : index
    %get3A_457 = tpu.vector_load %arg10[%get3A_456] {strides = array<i32>} : memref<256xi32, #tpu.memory_space<vmem>>, vector<16xi32>,
    %get3A_458 = vector.shape_cast %get3A_457 : vector<16xi32> to vector<16xi32>
    %get3A_459 = arith.constant 160 : index
    %get3A_460 = tpu.vector_load %arg11[%get3A_459] {strides = array<i32>} : memref<256xi32, #tpu.memory_space<vmem>>, vector<16xi32>,
    %get3A_461 = vector.shape_cast %get3A_460 : vector<16xi32> to vector<16xi32>
    %iota3A_462 = tpu.iota {dimensions = array<i32: 0>} : vector<16xi32>
    %add3A_463 = arith.constant 160 : i32
    %add3A_464 = arith.addi %mul3A_2, %add3A_463 : i32
    %add3A_465 = vector.broadcast %add3A_464 : i32 to vector<16xi32>
    %add3A_466 = arith.addi %iota3A_462, %add3A_465 : vector<16xi32>
    %gt3A_467 = arith.constant 0 : i32
    %gt3A_468 = vector.broadcast %gt3A_467 : i32 to vector<16xi32>
    %gt3A_469 = arith.cmpi sgt, %get3A_455, %gt3A_468 : vector<16xi32>
    %gt3A_470 = arith.constant 0 : i32
    %gt3A_471 = vector.broadcast %gt3A_470 : i32 to vector<16xi32>
    %gt3A_472 = arith.cmpi sgt, %get3A_461, %gt3A_471 : vector<16xi32>
    %and3A_473 = arith.andi %gt3A_469, %gt3A_472 : vector<16xi1>
    %eq3A_474 = arith.cmpi eq, %get3A_458, %add3A_466 : vector<16xi32>
    %and3A_475 = arith.andi %and3A_473, %eq3A_474 : vector<16xi1>
    %jit3A_476 = arith.constant -1 : i32
    %broadcast_in_dim3A_477 = vector.broadcast %jit3A_476 : i32 to vector<16xi32>
    %select_n3A_478 = arith.select %and3A_475, %get3A_452, %broadcast_in_dim3A_477 : vector<16xi1>, vector<16xi32>
    %swap3A_479 = arith.constant 160 : index
    %swap3A_480 = tpu.vector_load %arg12[%swap3A_479] {strides = array<i32>} : memref<256xi32, #tpu.memory_space<vmem>>, vector<16xi32>,
    %swap3A_481 = vector.shape_cast %swap3A_480 : vector<16xi32> to vector<16xi32>
    %swap3A_482 = vector.shape_cast %select_n3A_478 : vector<16xi32> to vector<16xi32>
    tpu.vector_store %arg12[%swap3A_479], %swap3A_482 {strides = array<i32>} : memref<256xi32, #tpu.memory_space<vmem>>, vector<16xi32>,
    %gt3A_483 = arith.constant 0 : i32
    %gt3A_484 = vector.broadcast %gt3A_483 : i32 to vector<16xi32>
    %gt3A_485 = arith.cmpi sgt, %select_n3A_478, %gt3A_484 : vector<16xi32>
    %jit3A_486 = arith.constant 1 : i32
    %jit3A_487 = arith.constant 0 : i32
    %broadcast_in_dim3A_488 = vector.broadcast %jit3A_486 : i32 to vector<16xi32>
    %broadcast_in_dim3A_489 = vector.broadcast %jit3A_487 : i32 to vector<16xi32>
    %select_n3A_490 = arith.select %gt3A_485, %broadcast_in_dim3A_488, %broadcast_in_dim3A_489 : vector<16xi1>, vector<16xi32>
    %swap3A_491 = arith.constant 160 : index
    %swap3A_492 = tpu.vector_load %arg13[%swap3A_491] {strides = array<i32>} : memref<256xi32, #tpu.memory_space<vmem>>, vector<16xi32>,
    %swap3A_493 = vector.shape_cast %swap3A_492 : vector<16xi32> to vector<16xi32>
    %swap3A_494 = vector.shape_cast %select_n3A_490 : vector<16xi32> to vector<16xi32>
    tpu.vector_store %arg13[%swap3A_491], %swap3A_494 {strides = array<i32>} : memref<256xi32, #tpu.memory_space<vmem>>, vector<16xi32>,
    %get3A_495 = arith.constant 176 : index
    %get3A_496 = tpu.vector_load %arg8[%get3A_495] {strides = array<i32>} : memref<256xi32, #tpu.memory_space<vmem>>, vector<16xi32>,
    %get3A_497 = vector.shape_cast %get3A_496 : vector<16xi32> to vector<16xi32>
    %get3A_498 = arith.constant 176 : index
    %get3A_499 = tpu.vector_load %arg9[%get3A_498] {strides = array<i32>} : memref<256xi32, #tpu.memory_space<vmem>>, vector<16xi32>,
    %get3A_500 = vector.shape_cast %get3A_499 : vector<16xi32> to vector<16xi32>
    %get3A_501 = arith.constant 176 : index
    %get3A_502 = tpu.vector_load %arg10[%get3A_501] {strides = array<i32>} : memref<256xi32, #tpu.memory_space<vmem>>, vector<16xi32>,
    %get3A_503 = vector.shape_cast %get3A_502 : vector<16xi32> to vector<16xi32>
    %get3A_504 = arith.constant 176 : index
    %get3A_505 = tpu.vector_load %arg11[%get3A_504] {strides = array<i32>} : memref<256xi32, #tpu.memory_space<vmem>>, vector<16xi32>,
    %get3A_506 = vector.shape_cast %get3A_505 : vector<16xi32> to vector<16xi32>
    %iota3A_507 = tpu.iota {dimensions = array<i32: 0>} : vector<16xi32>
    %add3A_508 = arith.constant 176 : i32
    %add3A_509 = arith.addi %mul3A_2, %add3A_508 : i32
    %add3A_510 = vector.broadcast %add3A_509 : i32 to vector<16xi32>
    %add3A_511 = arith.addi %iota3A_507, %add3A_510 : vector<16xi32>
    %gt3A_512 = arith.constant 0 : i32
    %gt3A_513 = vector.broadcast %gt3A_512 : i32 to vector<16xi32>
    %gt3A_514 = arith.cmpi sgt, %get3A_500, %gt3A_513 : vector<16xi32>
    %gt3A_515 = arith.constant 0 : i32
    %gt3A_516 = vector.broadcast %gt3A_515 : i32 to vector<16xi32>
    %gt3A_517 = arith.cmpi sgt, %get3A_506, %gt3A_516 : vector<16xi32>
    %and3A_518 = arith.andi %gt3A_514, %gt3A_517 : vector<16xi1>
    %eq3A_519 = arith.cmpi eq, %get3A_503, %add3A_511 : vector<16xi32>
    %and3A_520 = arith.andi %and3A_518, %eq3A_519 : vector<16xi1>
    %jit3A_521 = arith.constant -1 : i32
    %broadcast_in_dim3A_522 = vector.broadcast %jit3A_521 : i32 to vector<16xi32>
    %select_n3A_523 = arith.select %and3A_520, %get3A_497, %broadcast_in_dim3A_522 : vector<16xi1>, vector<16xi32>
    %swap3A_524 = arith.constant 176 : index
    %swap3A_525 = tpu.vector_load %arg12[%swap3A_524] {strides = array<i32>} : memref<256xi32, #tpu.memory_space<vmem>>, vector<16xi32>,
    %swap3A_526 = vector.shape_cast %swap3A_525 : vector<16xi32> to vector<16xi32>
    %swap3A_527 = vector.shape_cast %select_n3A_523 : vector<16xi32> to vector<16xi32>
    tpu.vector_store %arg12[%swap3A_524], %swap3A_527 {strides = array<i32>} : memref<256xi32, #tpu.memory_space<vmem>>, vector<16xi32>,
    %gt3A_528 = arith.constant 0 : i32
    %gt3A_529 = vector.broadcast %gt3A_528 : i32 to vector<16xi32>
    %gt3A_530 = arith.cmpi sgt, %select_n3A_523, %gt3A_529 : vector<16xi32>
    %jit3A_531 = arith.constant 1 : i32
    %jit3A_532 = arith.constant 0 : i32
    %broadcast_in_dim3A_533 = vector.broadcast %jit3A_531 : i32 to vector<16xi32>
    %broadcast_in_dim3A_534 = vector.broadcast %jit3A_532 : i32 to vector<16xi32>
    %select_n3A_535 = arith.select %gt3A_530, %broadcast_in_dim3A_533, %broadcast_in_dim3A_534 : vector<16xi1>, vector<16xi32>
    %swap3A_536 = arith.constant 176 : index
    %swap3A_537 = tpu.vector_load %arg13[%swap3A_536] {strides = array<i32>} : memref<256xi32, #tpu.memory_space<vmem>>, vector<16xi32>,
    %swap3A_538 = vector.shape_cast %swap3A_537 : vector<16xi32> to vector<16xi32>
    %swap3A_539 = vector.shape_cast %select_n3A_535 : vector<16xi32> to vector<16xi32>
    tpu.vector_store %arg13[%swap3A_536], %swap3A_539 {strides = array<i32>} : memref<256xi32, #tpu.memory_space<vmem>>, vector<16xi32>,
    %get3A_540 = arith.constant 192 : index
    %get3A_541 = tpu.vector_load %arg8[%get3A_540] {strides = array<i32>} : memref<256xi32, #tpu.memory_space<vmem>>, vector<16xi32>,
    %get3A_542 = vector.shape_cast %get3A_541 : vector<16xi32> to vector<16xi32>
    %get3A_543 = arith.constant 192 : index
    %get3A_544 = tpu.vector_load %arg9[%get3A_543] {strides = array<i32>} : memref<256xi32, #tpu.memory_space<vmem>>, vector<16xi32>,
    %get3A_545 = vector.shape_cast %get3A_544 : vector<16xi32> to vector<16xi32>
    %get3A_546 = arith.constant 192 : index
    %get3A_547 = tpu.vector_load %arg10[%get3A_546] {strides = array<i32>} : memref<256xi32, #tpu.memory_space<vmem>>, vector<16xi32>,
    %get3A_548 = vector.shape_cast %get3A_547 : vector<16xi32> to vector<16xi32>
    %get3A_549 = arith.constant 192 : index
    %get3A_550 = tpu.vector_load %arg11[%get3A_549] {strides = array<i32>} : memref<256xi32, #tpu.memory_space<vmem>>, vector<16xi32>,
    %get3A_551 = vector.shape_cast %get3A_550 : vector<16xi32> to vector<16xi32>
    %iota3A_552 = tpu.iota {dimensions = array<i32: 0>} : vector<16xi32>
    %add3A_553 = arith.constant 192 : i32
    %add3A_554 = arith.addi %mul3A_2, %add3A_553 : i32
    %add3A_555 = vector.broadcast %add3A_554 : i32 to vector<16xi32>
    %add3A_556 = arith.addi %iota3A_552, %add3A_555 : vector<16xi32>
    %gt3A_557 = arith.constant 0 : i32
    %gt3A_558 = vector.broadcast %gt3A_557 : i32 to vector<16xi32>
    %gt3A_559 = arith.cmpi sgt, %get3A_545, %gt3A_558 : vector<16xi32>
    %gt3A_560 = arith.constant 0 : i32
    %gt3A_561 = vector.broadcast %gt3A_560 : i32 to vector<16xi32>
    %gt3A_562 = arith.cmpi sgt, %get3A_551, %gt3A_561 : vector<16xi32>
    %and3A_563 = arith.andi %gt3A_559, %gt3A_562 : vector<16xi1>
    %eq3A_564 = arith.cmpi eq, %get3A_548, %add3A_556 : vector<16xi32>
    %and3A_565 = arith.andi %and3A_563, %eq3A_564 : vector<16xi1>
    %jit3A_566 = arith.constant -1 : i32
    %broadcast_in_dim3A_567 = vector.broadcast %jit3A_566 : i32 to vector<16xi32>
    %select_n3A_568 = arith.select %and3A_565, %get3A_542, %broadcast_in_dim3A_567 : vector<16xi1>, vector<16xi32>
    %swap3A_569 = arith.constant 192 : index
    %swap3A_570 = tpu.vector_load %arg12[%swap3A_569] {strides = array<i32>} : memref<256xi32, #tpu.memory_space<vmem>>, vector<16xi32>,
    %swap3A_571 = vector.shape_cast %swap3A_570 : vector<16xi32> to vector<16xi32>
    %swap3A_572 = vector.shape_cast %select_n3A_568 : vector<16xi32> to vector<16xi32>
    tpu.vector_store %arg12[%swap3A_569], %swap3A_572 {strides = array<i32>} : memref<256xi32, #tpu.memory_space<vmem>>, vector<16xi32>,
    %gt3A_573 = arith.constant 0 : i32
    %gt3A_574 = vector.broadcast %gt3A_573 : i32 to vector<16xi32>
    %gt3A_575 = arith.cmpi sgt, %select_n3A_568, %gt3A_574 : vector<16xi32>
    %jit3A_576 = arith.constant 1 : i32
    %jit3A_577 = arith.constant 0 : i32
    %broadcast_in_dim3A_578 = vector.broadcast %jit3A_576 : i32 to vector<16xi32>
    %broadcast_in_dim3A_579 = vector.broadcast %jit3A_577 : i32 to vector<16xi32>
    %select_n3A_580 = arith.select %gt3A_575, %broadcast_in_dim3A_578, %broadcast_in_dim3A_579 : vector<16xi1>, vector<16xi32>
    %swap3A_581 = arith.constant 192 : index
    %swap3A_582 = tpu.vector_load %arg13[%swap3A_581] {strides = array<i32>} : memref<256xi32, #tpu.memory_space<vmem>>, vector<16xi32>,
    %swap3A_583 = vector.shape_cast %swap3A_582 : vector<16xi32> to vector<16xi32>
    %swap3A_584 = vector.shape_cast %select_n3A_580 : vector<16xi32> to vector<16xi32>
    tpu.vector_store %arg13[%swap3A_581], %swap3A_584 {strides = array<i32>} : memref<256xi32, #tpu.memory_space<vmem>>, vector<16xi32>,
    %get3A_585 = arith.constant 208 : index
    %get3A_586 = tpu.vector_load %arg8[%get3A_585] {strides = array<i32>} : memref<256xi32, #tpu.memory_space<vmem>>, vector<16xi32>,
    %get3A_587 = vector.shape_cast %get3A_586 : vector<16xi32> to vector<16xi32>
    %get3A_588 = arith.constant 208 : index
    %get3A_589 = tpu.vector_load %arg9[%get3A_588] {strides = array<i32>} : memref<256xi32, #tpu.memory_space<vmem>>, vector<16xi32>,
    %get3A_590 = vector.shape_cast %get3A_589 : vector<16xi32> to vector<16xi32>
    %get3A_591 = arith.constant 208 : index
    %get3A_592 = tpu.vector_load %arg10[%get3A_591] {strides = array<i32>} : memref<256xi32, #tpu.memory_space<vmem>>, vector<16xi32>,
    %get3A_593 = vector.shape_cast %get3A_592 : vector<16xi32> to vector<16xi32>
    %get3A_594 = arith.constant 208 : index
    %get3A_595 = tpu.vector_load %arg11[%get3A_594] {strides = array<i32>} : memref<256xi32, #tpu.memory_space<vmem>>, vector<16xi32>,
    %get3A_596 = vector.shape_cast %get3A_595 : vector<16xi32> to vector<16xi32>
    %iota3A_597 = tpu.iota {dimensions = array<i32: 0>} : vector<16xi32>
    %add3A_598 = arith.constant 208 : i32
    %add3A_599 = arith.addi %mul3A_2, %add3A_598 : i32
    %add3A_600 = vector.broadcast %add3A_599 : i32 to vector<16xi32>
    %add3A_601 = arith.addi %iota3A_597, %add3A_600 : vector<16xi32>
    %gt3A_602 = arith.constant 0 : i32
    %gt3A_603 = vector.broadcast %gt3A_602 : i32 to vector<16xi32>
    %gt3A_604 = arith.cmpi sgt, %get3A_590, %gt3A_603 : vector<16xi32>
    %gt3A_605 = arith.constant 0 : i32
    %gt3A_606 = vector.broadcast %gt3A_605 : i32 to vector<16xi32>
    %gt3A_607 = arith.cmpi sgt, %get3A_596, %gt3A_606 : vector<16xi32>
    %and3A_608 = arith.andi %gt3A_604, %gt3A_607 : vector<16xi1>
    %eq3A_609 = arith.cmpi eq, %get3A_593, %add3A_601 : vector<16xi32>
    %and3A_610 = arith.andi %and3A_608, %eq3A_609 : vector<16xi1>
    %jit3A_611 = arith.constant -1 : i32
    %broadcast_in_dim3A_612 = vector.broadcast %jit3A_611 : i32 to vector<16xi32>
    %select_n3A_613 = arith.select %and3A_610, %get3A_587, %broadcast_in_dim3A_612 : vector<16xi1>, vector<16xi32>
    %swap3A_614 = arith.constant 208 : index
    %swap3A_615 = tpu.vector_load %arg12[%swap3A_614] {strides = array<i32>} : memref<256xi32, #tpu.memory_space<vmem>>, vector<16xi32>,
    %swap3A_616 = vector.shape_cast %swap3A_615 : vector<16xi32> to vector<16xi32>
    %swap3A_617 = vector.shape_cast %select_n3A_613 : vector<16xi32> to vector<16xi32>
    tpu.vector_store %arg12[%swap3A_614], %swap3A_617 {strides = array<i32>} : memref<256xi32, #tpu.memory_space<vmem>>, vector<16xi32>,
    %gt3A_618 = arith.constant 0 : i32
    %gt3A_619 = vector.broadcast %gt3A_618 : i32 to vector<16xi32>
    %gt3A_620 = arith.cmpi sgt, %select_n3A_613, %gt3A_619 : vector<16xi32>
    %jit3A_621 = arith.constant 1 : i32
    %jit3A_622 = arith.constant 0 : i32
    %broadcast_in_dim3A_623 = vector.broadcast %jit3A_621 : i32 to vector<16xi32>
    %broadcast_in_dim3A_624 = vector.broadcast %jit3A_622 : i32 to vector<16xi32>
    %select_n3A_625 = arith.select %gt3A_620, %broadcast_in_dim3A_623, %broadcast_in_dim3A_624 : vector<16xi1>, vector<16xi32>
    %swap3A_626 = arith.constant 208 : index
    %swap3A_627 = tpu.vector_load %arg13[%swap3A_626] {strides = array<i32>} : memref<256xi32, #tpu.memory_space<vmem>>, vector<16xi32>,
    %swap3A_628 = vector.shape_cast %swap3A_627 : vector<16xi32> to vector<16xi32>
    %swap3A_629 = vector.shape_cast %select_n3A_625 : vector<16xi32> to vector<16xi32>
    tpu.vector_store %arg13[%swap3A_626], %swap3A_629 {strides = array<i32>} : memref<256xi32, #tpu.memory_space<vmem>>, vector<16xi32>,
    %get3A_630 = arith.constant 224 : index
    %get3A_631 = tpu.vector_load %arg8[%get3A_630] {strides = array<i32>} : memref<256xi32, #tpu.memory_space<vmem>>, vector<16xi32>,
    %get3A_632 = vector.shape_cast %get3A_631 : vector<16xi32> to vector<16xi32>
    %get3A_633 = arith.constant 224 : index
    %get3A_634 = tpu.vector_load %arg9[%get3A_633] {strides = array<i32>} : memref<256xi32, #tpu.memory_space<vmem>>, vector<16xi32>,
    %get3A_635 = vector.shape_cast %get3A_634 : vector<16xi32> to vector<16xi32>
    %get3A_636 = arith.constant 224 : index
    %get3A_637 = tpu.vector_load %arg10[%get3A_636] {strides = array<i32>} : memref<256xi32, #tpu.memory_space<vmem>>, vector<16xi32>,
    %get3A_638 = vector.shape_cast %get3A_637 : vector<16xi32> to vector<16xi32>
    %get3A_639 = arith.constant 224 : index
    %get3A_640 = tpu.vector_load %arg11[%get3A_639] {strides = array<i32>} : memref<256xi32, #tpu.memory_space<vmem>>, vector<16xi32>,
    %get3A_641 = vector.shape_cast %get3A_640 : vector<16xi32> to vector<16xi32>
    %iota3A_642 = tpu.iota {dimensions = array<i32: 0>} : vector<16xi32>
    %add3A_643 = arith.constant 224 : i32
    %add3A_644 = arith.addi %mul3A_2, %add3A_643 : i32
    %add3A_645 = vector.broadcast %add3A_644 : i32 to vector<16xi32>
    %add3A_646 = arith.addi %iota3A_642, %add3A_645 : vector<16xi32>
    %gt3A_647 = arith.constant 0 : i32
    %gt3A_648 = vector.broadcast %gt3A_647 : i32 to vector<16xi32>
    %gt3A_649 = arith.cmpi sgt, %get3A_635, %gt3A_648 : vector<16xi32>
    %gt3A_650 = arith.constant 0 : i32
    %gt3A_651 = vector.broadcast %gt3A_650 : i32 to vector<16xi32>
    %gt3A_652 = arith.cmpi sgt, %get3A_641, %gt3A_651 : vector<16xi32>
    %and3A_653 = arith.andi %gt3A_649, %gt3A_652 : vector<16xi1>
    %eq3A_654 = arith.cmpi eq, %get3A_638, %add3A_646 : vector<16xi32>
    %and3A_655 = arith.andi %and3A_653, %eq3A_654 : vector<16xi1>
    %jit3A_656 = arith.constant -1 : i32
    %broadcast_in_dim3A_657 = vector.broadcast %jit3A_656 : i32 to vector<16xi32>
    %select_n3A_658 = arith.select %and3A_655, %get3A_632, %broadcast_in_dim3A_657 : vector<16xi1>, vector<16xi32>
    %swap3A_659 = arith.constant 224 : index
    %swap3A_660 = tpu.vector_load %arg12[%swap3A_659] {strides = array<i32>} : memref<256xi32, #tpu.memory_space<vmem>>, vector<16xi32>,
    %swap3A_661 = vector.shape_cast %swap3A_660 : vector<16xi32> to vector<16xi32>
    %swap3A_662 = vector.shape_cast %select_n3A_658 : vector<16xi32> to vector<16xi32>
    tpu.vector_store %arg12[%swap3A_659], %swap3A_662 {strides = array<i32>} : memref<256xi32, #tpu.memory_space<vmem>>, vector<16xi32>,
    %gt3A_663 = arith.constant 0 : i32
    %gt3A_664 = vector.broadcast %gt3A_663 : i32 to vector<16xi32>
    %gt3A_665 = arith.cmpi sgt, %select_n3A_658, %gt3A_664 : vector<16xi32>
    %jit3A_666 = arith.constant 1 : i32
    %jit3A_667 = arith.constant 0 : i32
    %broadcast_in_dim3A_668 = vector.broadcast %jit3A_666 : i32 to vector<16xi32>
    %broadcast_in_dim3A_669 = vector.broadcast %jit3A_667 : i32 to vector<16xi32>
    %select_n3A_670 = arith.select %gt3A_665, %broadcast_in_dim3A_668, %broadcast_in_dim3A_669 : vector<16xi1>, vector<16xi32>
    %swap3A_671 = arith.constant 224 : index
    %swap3A_672 = tpu.vector_load %arg13[%swap3A_671] {strides = array<i32>} : memref<256xi32, #tpu.memory_space<vmem>>, vector<16xi32>,
    %swap3A_673 = vector.shape_cast %swap3A_672 : vector<16xi32> to vector<16xi32>
    %swap3A_674 = vector.shape_cast %select_n3A_670 : vector<16xi32> to vector<16xi32>
    tpu.vector_store %arg13[%swap3A_671], %swap3A_674 {strides = array<i32>} : memref<256xi32, #tpu.memory_space<vmem>>, vector<16xi32>,
    %get3A_675 = arith.constant 240 : index
    %get3A_676 = tpu.vector_load %arg8[%get3A_675] {strides = array<i32>} : memref<256xi32, #tpu.memory_space<vmem>>, vector<16xi32>,
    %get3A_677 = vector.shape_cast %get3A_676 : vector<16xi32> to vector<16xi32>
    %get3A_678 = arith.constant 240 : index
    %get3A_679 = tpu.vector_load %arg9[%get3A_678] {strides = array<i32>} : memref<256xi32, #tpu.memory_space<vmem>>, vector<16xi32>,
    %get3A_680 = vector.shape_cast %get3A_679 : vector<16xi32> to vector<16xi32>
    %get3A_681 = arith.constant 240 : index
    %get3A_682 = tpu.vector_load %arg10[%get3A_681] {strides = array<i32>} : memref<256xi32, #tpu.memory_space<vmem>>, vector<16xi32>,
    %get3A_683 = vector.shape_cast %get3A_682 : vector<16xi32> to vector<16xi32>
    %get3A_684 = arith.constant 240 : index
    %get3A_685 = tpu.vector_load %arg11[%get3A_684] {strides = array<i32>} : memref<256xi32, #tpu.memory_space<vmem>>, vector<16xi32>,
    %get3A_686 = vector.shape_cast %get3A_685 : vector<16xi32> to vector<16xi32>
    %iota3A_687 = tpu.iota {dimensions = array<i32: 0>} : vector<16xi32>
    %add3A_688 = arith.constant 240 : i32
    %add3A_689 = arith.addi %mul3A_2, %add3A_688 : i32
    %add3A_690 = vector.broadcast %add3A_689 : i32 to vector<16xi32>
    %add3A_691 = arith.addi %iota3A_687, %add3A_690 : vector<16xi32>
    %gt3A_692 = arith.constant 0 : i32
    %gt3A_693 = vector.broadcast %gt3A_692 : i32 to vector<16xi32>
    %gt3A_694 = arith.cmpi sgt, %get3A_680, %gt3A_693 : vector<16xi32>
    %gt3A_695 = arith.constant 0 : i32
    %gt3A_696 = vector.broadcast %gt3A_695 : i32 to vector<16xi32>
    %gt3A_697 = arith.cmpi sgt, %get3A_686, %gt3A_696 : vector<16xi32>
    %and3A_698 = arith.andi %gt3A_694, %gt3A_697 : vector<16xi1>
    %eq3A_699 = arith.cmpi eq, %get3A_683, %add3A_691 : vector<16xi32>
    %and3A_700 = arith.andi %and3A_698, %eq3A_699 : vector<16xi1>
    %jit3A_701 = arith.constant -1 : i32
    %broadcast_in_dim3A_702 = vector.broadcast %jit3A_701 : i32 to vector<16xi32>
    %select_n3A_703 = arith.select %and3A_700, %get3A_677, %broadcast_in_dim3A_702 : vector<16xi1>, vector<16xi32>
    %swap3A_704 = arith.constant 240 : index
    %swap3A_705 = tpu.vector_load %arg12[%swap3A_704] {strides = array<i32>} : memref<256xi32, #tpu.memory_space<vmem>>, vector<16xi32>,
    %swap3A_706 = vector.shape_cast %swap3A_705 : vector<16xi32> to vector<16xi32>
    %swap3A_707 = vector.shape_cast %select_n3A_703 : vector<16xi32> to vector<16xi32>
    tpu.vector_store %arg12[%swap3A_704], %swap3A_707 {strides = array<i32>} : memref<256xi32, #tpu.memory_space<vmem>>, vector<16xi32>,
    %gt3A_708 = arith.constant 0 : i32
    %gt3A_709 = vector.broadcast %gt3A_708 : i32 to vector<16xi32>
    %gt3A_710 = arith.cmpi sgt, %select_n3A_703, %gt3A_709 : vector<16xi32>
    %jit3A_711 = arith.constant 1 : i32
    %jit3A_712 = arith.constant 0 : i32
    %broadcast_in_dim3A_713 = vector.broadcast %jit3A_711 : i32 to vector<16xi32>
    %broadcast_in_dim3A_714 = vector.broadcast %jit3A_712 : i32 to vector<16xi32>
    %select_n3A_715 = arith.select %gt3A_710, %broadcast_in_dim3A_713, %broadcast_in_dim3A_714 : vector<16xi1>, vector<16xi32>
    %swap3A_716 = arith.constant 240 : index
    %swap3A_717 = tpu.vector_load %arg13[%swap3A_716] {strides = array<i32>} : memref<256xi32, #tpu.memory_space<vmem>>, vector<16xi32>,
    %swap3A_718 = vector.shape_cast %swap3A_717 : vector<16xi32> to vector<16xi32>
    %swap3A_719 = vector.shape_cast %select_n3A_715 : vector<16xi32> to vector<16xi32>
    tpu.vector_store %arg13[%swap3A_716], %swap3A_719 {strides = array<i32>} : memref<256xi32, #tpu.memory_space<vmem>>, vector<16xi32>,
    "tpu.region"() ({
      %run_scoped3A = tpu.sem_alloc : memref<!tpu.dma_semaphore, #tpu.memory_space<semaphore_mem>>
      %dma_start3A_720 = tpu.memref_slice %arg6[%mul3A_2] : memref<8192xi32, #tpu.memory_space<hbm>> -> memref<256xi32, #tpu.memory_space<hbm>>
      %dma_start3A_721 = tpu.memref_slice %arg6[%mul3A_2] : memref<8192xi32, #tpu.memory_space<hbm>> -> memref<256xi32, #tpu.memory_space<hbm>>
      tpu.enqueue_dma source(%arg12 : memref<256xi32, #tpu.memory_space<vmem>>) target(%dma_start3A_721 : memref<256xi32, #tpu.memory_space<hbm>>) target_semaphore(%run_scoped3A : memref<!tpu.dma_semaphore, #tpu.memory_space<semaphore_mem>>)
      %dma_wait3A_722 = tpu.memref_slice %arg6[%mul3A_2] : memref<8192xi32, #tpu.memory_space<hbm>> -> memref<256xi32, #tpu.memory_space<hbm>>
      %dma_wait3A_723 = tpu.memref_slice %arg6[%mul3A_2] : memref<8192xi32, #tpu.memory_space<hbm>> -> memref<256xi32, #tpu.memory_space<hbm>>
      tpu.wait_dma2 semaphore(%run_scoped3A : memref<!tpu.dma_semaphore, #tpu.memory_space<semaphore_mem>>) src(%arg12 : memref<256xi32, #tpu.memory_space<vmem>>) dst(%dma_wait3A_723 : memref<256xi32, #tpu.memory_space<hbm>>)
      tpu.yield
    }) : () -> ()
    "tpu.region"() ({
      %run_scoped3A = tpu.sem_alloc : memref<!tpu.dma_semaphore, #tpu.memory_space<semaphore_mem>>
      %dma_start3A_720 = tpu.memref_slice %arg7[%mul3A_2] : memref<8192xi32, #tpu.memory_space<hbm>> -> memref<256xi32, #tpu.memory_space<hbm>>
      %dma_start3A_721 = tpu.memref_slice %arg7[%mul3A_2] : memref<8192xi32, #tpu.memory_space<hbm>> -> memref<256xi32, #tpu.memory_space<hbm>>
      tpu.enqueue_dma source(%arg13 : memref<256xi32, #tpu.memory_space<vmem>>) target(%dma_start3A_721 : memref<256xi32, #tpu.memory_space<hbm>>) target_semaphore(%run_scoped3A : memref<!tpu.dma_semaphore, #tpu.memory_space<semaphore_mem>>)
      %dma_wait3A_722 = tpu.memref_slice %arg7[%mul3A_2] : memref<8192xi32, #tpu.memory_space<hbm>> -> memref<256xi32, #tpu.memory_space<hbm>>
      %dma_wait3A_723 = tpu.memref_slice %arg7[%mul3A_2] : memref<8192xi32, #tpu.memory_space<hbm>> -> memref<256xi32, #tpu.memory_space<hbm>>
      tpu.wait_dma2 semaphore(%run_scoped3A : memref<!tpu.dma_semaphore, #tpu.memory_space<semaphore_mem>>) src(%arg13 : memref<256xi32, #tpu.memory_space<vmem>>) dst(%dma_wait3A_723 : memref<256xi32, #tpu.memory_space<hbm>>)
      tpu.yield
    }) : () -> ()
    return
  }
}

module attributes {stable_mosaic.version = 14 : i64} {
  func.func @_top2_body(%arg0: i32, %arg1: i32, %arg2: memref<128x512xf32, #tpu.memory_space<vmem>>, %arg3: memref<128x8192xf32, #tpu.memory_space<vmem>>, %arg4: memref<8192x3xbf16, #tpu.memory_space<vmem>>, %arg5: memref<3x512xbf16, #tpu.memory_space<vmem>>, %arg6: memref<16x512xf32, #tpu.memory_space<vmem>>, %arg7: memref<16x512xi32, #tpu.memory_space<vmem>>, %arg8: memref<16x512xf32, #tpu.memory_space<vmem>>, %arg9: memref<16x512xi32, #tpu.memory_space<vmem>>, %arg10: memref<1x8192xf32, #tpu.memory_space<vmem>>, %arg11: memref<1x8192xi32, #tpu.memory_space<vmem>>, %arg12: memref<1x8192xf32, #tpu.memory_space<vmem>>, %arg13: memref<1x8192xi32, #tpu.memory_space<vmem>>) attributes {dimension_semantics = [#tpu.dimension_semantics<arbitrary>, #tpu.dimension_semantics<arbitrary>], iteration_bounds = array<i64: 16, 1>, scalar_prefetch = 0 : i64, scratch_operands = 0 : i64, tpu.core_type = #tpu.core_type<tc>, window_params = [{transform_indices = @transform_0, window_bounds = array<i64: 128, 512>}, {transform_indices = @transform_1, window_bounds = array<i64: 128, 8192>}, {pipeline_mode = #tpu.pipeline_mode<synchronous>, transform_indices = @transform_2, window_bounds = array<i64: 8192, 3>}, {pipeline_mode = #tpu.pipeline_mode<synchronous>, transform_indices = @transform_3, window_bounds = array<i64: 3, 512>}, {pipeline_mode = #tpu.pipeline_mode<synchronous>, transform_indices = @transform_4, window_bounds = array<i64: 16, 512>}, {pipeline_mode = #tpu.pipeline_mode<synchronous>, transform_indices = @transform_5, window_bounds = array<i64: 16, 512>}, {pipeline_mode = #tpu.pipeline_mode<synchronous>, transform_indices = @transform_6, window_bounds = array<i64: 16, 512>}, {pipeline_mode = #tpu.pipeline_mode<synchronous>, transform_indices = @transform_7, window_bounds = array<i64: 16, 512>}, {pipeline_mode = #tpu.pipeline_mode<synchronous>, transform_indices = @transform_8, window_bounds = array<i64: 1, 8192>}, {pipeline_mode = #tpu.pipeline_mode<synchronous>, transform_indices = @transform_9, window_bounds = array<i64: 1, 8192>}, {pipeline_mode = #tpu.pipeline_mode<synchronous>, transform_indices = @transform_10, window_bounds = array<i64: 1, 8192>}, {pipeline_mode = #tpu.pipeline_mode<synchronous>, transform_indices = @transform_11, window_bounds = array<i64: 1, 8192>}]} {
    %get3A = arith.constant 0 : index
    %get3A_0 = arith.constant 0 : index
    %get3A_1 = vector.load %arg2[%get3A, %get3A_0] : memref<128x512xf32, #tpu.memory_space<vmem>>, vector<128x512xf32>
    %get3A_2 = arith.constant 0 : index
    %get3A_3 = arith.constant 0 : index
    %get3A_4 = vector.load %arg3[%get3A_2, %get3A_3] : memref<128x8192xf32, #tpu.memory_space<vmem>>, vector<128x8192xf32>
    %dot_general3A = arith.constant dense<0.000000e+00> : vector<512x8192xf32>
    %dot_general3A_5 = tpu.matmul %get3A_1, %get3A_4, %dot_general3A {dimension_numbers = #tpu.dot_dimension_numbers<[0], [0], [1], [1], [0, 1, 1, 1], [], []>, transpose_lhs_hint = false} : vector<128x512xf32>, vector<128x8192xf32>, vector<512x8192xf32> -> vector<512x8192xf32>
    %reduce_max3A = arith.constant dense<0xFF800000> : vector<512xf32>
    %reduce_max3A_6 = vector.multi_reduction <maximumf>, %dot_general3A_5, %reduce_max3A [1] : vector<512x8192xf32> to vector<512xf32>
    %broadcast_in_dim3A = vector.shape_cast %reduce_max3A_6 : vector<512xf32> to vector<512x1xf32>
    %eq3A = vector.broadcast %broadcast_in_dim3A : vector<512x1xf32> to vector<512x8192xf32>
    %eq3A_7 = arith.cmpf oeq, %dot_general3A_5, %eq3A : vector<512x8192xf32>
    %convert_element_type3A = arith.extui %eq3A_7 : vector<512x8192xi1> to vector<512x8192xi32>
    %convert_element_type3A_8 = arith.sitofp %convert_element_type3A : vector<512x8192xi32> to vector<512x8192xf32>
    %convert_element_type3A_9 = arith.truncf %convert_element_type3A_8 : vector<512x8192xf32> to vector<512x8192xbf16>
    %get3A_10 = arith.constant 0 : index
    %get3A_11 = arith.constant 0 : index
    %get3A_12 = vector.load %arg4[%get3A_10, %get3A_11] : memref<8192x3xbf16, #tpu.memory_space<vmem>>, vector<8192x3xbf16>
    %dot_general3A_13 = arith.constant dense<0.000000e+00> : vector<512x3xf32>
    %dot_general3A_14 = tpu.matmul %convert_element_type3A_9, %get3A_12, %dot_general3A_13 {dimension_numbers = #tpu.dot_dimension_numbers<[1], [0], [0], [1], [0, 0, 1, 1], [], []>, transpose_lhs_hint = false} : vector<512x8192xbf16>, vector<8192x3xbf16>, vector<512x3xf32> -> vector<512x3xf32>
    %slice3A = vector.extract_strided_slice %dot_general3A_14 {offsets = [0, 0], sizes = [512, 1], strides = [1, 1]} : vector<512x3xf32> to vector<512x1xf32>
    %mul3A = arith.constant 3.200000e+01 : f32
    %mul3A_15 = vector.broadcast %mul3A : f32 to vector<512x1xf32>
    %mul3A_16 = arith.mulf %slice3A, %mul3A_15 : vector<512x1xf32>
    %slice3A_17 = vector.extract_strided_slice %dot_general3A_14 {offsets = [0, 1], sizes = [512, 1], strides = [1, 1]} : vector<512x3xf32> to vector<512x1xf32>
    %add3A = arith.addf %mul3A_16, %slice3A_17 : vector<512x1xf32>
    %slice3A_18 = vector.extract_strided_slice %dot_general3A_14 {offsets = [0, 2], sizes = [512, 1], strides = [1, 1]} : vector<512x3xf32> to vector<512x1xf32>
    %jit3A = arith.constant 0xFF800000 : f32
    %broadcast_in_dim3A_19 = vector.broadcast %jit3A : f32 to vector<512x8192xf32>
    %select_n3A = arith.select %eq3A_7, %broadcast_in_dim3A_19, %dot_general3A_5 : vector<512x8192xi1>, vector<512x8192xf32>
    %reduce_max3A_20 = arith.constant dense<0xFF800000> : vector<512xf32>
    %reduce_max3A_21 = vector.multi_reduction <maximumf>, %select_n3A, %reduce_max3A_20 [1] : vector<512x8192xf32> to vector<512xf32>
    %broadcast_in_dim3A_22 = vector.shape_cast %reduce_max3A_21 : vector<512xf32> to vector<512x1xf32>
    %gt3A = arith.constant 1.500000e+00 : f32
    %gt3A_23 = vector.broadcast %gt3A : f32 to vector<512x1xf32>
    %gt3A_24 = arith.cmpf ogt, %slice3A_18, %gt3A_23 : vector<512x1xf32>
    %select_n3A_25 = arith.select %gt3A_24, %broadcast_in_dim3A, %broadcast_in_dim3A_22 : vector<512x1xi1>, vector<512x1xf32>
    %transpose3A = tpu.transpose %broadcast_in_dim3A, [1, 0] : vector<512x1xf32> -> vector<1x512xf32>
    %transpose3A_26 = tpu.transpose %select_n3A_25, [1, 0] : vector<512x1xf32> -> vector<1x512xf32>
    %transpose3A_27 = tpu.transpose %add3A, [1, 0] : vector<512x1xf32> -> vector<1x512xf32>
    %convert_element_type3A_28 = arith.fptosi %transpose3A_27 : vector<1x512xf32> to vector<1x512xi32>
    %min3A = arith.constant 8191 : i32
    %min3A_29 = vector.broadcast %min3A : i32 to vector<1x512xi32>
    %min3A_30 = arith.minsi %convert_element_type3A_28, %min3A_29 : vector<1x512xi32>
    %mul3A_31 = arith.constant 8192 : i32
    %mul3A_32 = arith.muli %arg1, %mul3A_31 : i32
    %add3A_33 = vector.broadcast %mul3A_32 : i32 to vector<1x512xi32>
    %add3A_34 = arith.addi %min3A_30, %add3A_33 : vector<1x512xi32>
    %eq3A_35 = arith.constant 0 : i32
    %eq3A_36 = arith.cmpi eq, %arg1, %eq3A_35 : i32
    %get3A_37 = arith.index_cast %arg0 : i32 to index
    %get3A_38 = arith.constant 0 : index
    %get3A_39 = vector.load %arg6[%get3A_37, %get3A_38] : memref<16x512xf32, #tpu.memory_space<vmem>>, vector<1x512xf32>
    %jit3A_40 = arith.constant -3.000000e+00 : f32
    %broadcast_in_dim3A_41 = vector.broadcast %jit3A_40 : f32 to vector<1x512xf32>
    %select_n3A_42 = arith.select %eq3A_36, %broadcast_in_dim3A_41, %get3A_39 : vector<1x512xf32>
    %get3A_43 = arith.index_cast %arg0 : i32 to index
    %get3A_44 = arith.constant 0 : index
    %get3A_45 = vector.load %arg7[%get3A_43, %get3A_44] : memref<16x512xi32, #tpu.memory_space<vmem>>, vector<1x512xi32>
    %jit3A_46 = arith.constant 0 : i32
    %broadcast_in_dim3A_47 = vector.broadcast %jit3A_46 : i32 to vector<1x512xi32>
    %select_n3A_48 = arith.select %eq3A_36, %broadcast_in_dim3A_47, %get3A_45 : vector<1x512xi32>
    %get3A_49 = arith.index_cast %arg0 : i32 to index
    %get3A_50 = arith.constant 0 : index
    %get3A_51 = vector.load %arg8[%get3A_49, %get3A_50] : memref<16x512xf32, #tpu.memory_space<vmem>>, vector<1x512xf32>
    %jit3A_52 = arith.constant -3.000000e+00 : f32
    %broadcast_in_dim3A_53 = vector.broadcast %jit3A_52 : f32 to vector<1x512xf32>
    %select_n3A_54 = arith.select %eq3A_36, %broadcast_in_dim3A_53, %get3A_51 : vector<1x512xf32>
    %gt3A_55 = arith.cmpf ogt, %transpose3A, %select_n3A_42 : vector<1x512xf32>
    %select_n3A_56 = arith.select %gt3A_55, %transpose3A, %select_n3A_42 : vector<1x512xi1>, vector<1x512xf32>
    %select_n3A_57 = arith.select %gt3A_55, %add3A_34, %select_n3A_48 : vector<1x512xi1>, vector<1x512xi32>
    %min3A_58 = arith.minimumf %select_n3A_42, %transpose3A : vector<1x512xf32>
    %max3A = arith.maximumf %select_n3A_54, %transpose3A_26 : vector<1x512xf32>
    %max3A_59 = arith.maximumf %min3A_58, %max3A : vector<1x512xf32>
    %swap3A = arith.index_cast %arg0 : i32 to index
    %swap3A_60 = arith.constant 0 : index
    %swap3A_61 = vector.load %arg6[%swap3A, %swap3A_60] : memref<16x512xf32, #tpu.memory_space<vmem>>, vector<1x512xf32>
    tpu.vector_store %arg6[%swap3A, %swap3A_60], %select_n3A_56 {strides = array<i32>} : memref<16x512xf32, #tpu.memory_space<vmem>>, vector<1x512xf32>,
    %swap3A_62 = arith.index_cast %arg0 : i32 to index
    %swap3A_63 = arith.constant 0 : index
    %swap3A_64 = vector.load %arg7[%swap3A_62, %swap3A_63] : memref<16x512xi32, #tpu.memory_space<vmem>>, vector<1x512xi32>
    tpu.vector_store %arg7[%swap3A_62, %swap3A_63], %select_n3A_57 {strides = array<i32>} : memref<16x512xi32, #tpu.memory_space<vmem>>, vector<1x512xi32>,
    %swap3A_65 = arith.index_cast %arg0 : i32 to index
    %swap3A_66 = arith.constant 0 : index
    %swap3A_67 = vector.load %arg8[%swap3A_65, %swap3A_66] : memref<16x512xf32, #tpu.memory_space<vmem>>, vector<1x512xf32>
    tpu.vector_store %arg8[%swap3A_65, %swap3A_66], %max3A_59 {strides = array<i32>} : memref<16x512xf32, #tpu.memory_space<vmem>>, vector<1x512xf32>,
    %eq3A_68 = arith.constant 0 : i32
    %eq3A_69 = arith.cmpi eq, %arg1, %eq3A_68 : i32
    %convert_element_type3A_70 = arith.extui %eq3A_69 : i1 to i32
    %cond3A = arith.constant 0 : i32
    %cond3A_71 = arith.cmpi ne, %convert_element_type3A_70, %cond3A : i32
    scf.if %cond3A_71 {
      %sub3A = arith.constant 1.000000e+00 : f32
      %sub3A_147 = vector.broadcast %sub3A : f32 to vector<1x512xf32>
      %sub3A_148 = arith.subf %sub3A_147, %select_n3A_56 : vector<1x512xf32>
      %max3A_149 = arith.constant 9.99999997E-7 : f32
      %max3A_150 = vector.broadcast %max3A_149 : f32 to vector<1x512xf32>
      %max3A_151 = arith.maximumf %sub3A_148, %max3A_150 : vector<1x512xf32>
      %sqrt3A = math.sqrt %max3A_151 : vector<1x512xf32>
      %mul3A_152 = arith.constant 1.41421294 : f32
      %mul3A_153 = vector.broadcast %mul3A_152 : f32 to vector<1x512xf32>
      %mul3A_154 = arith.mulf %mul3A_153, %sqrt3A : vector<1x512xf32>
      %sub3A_155 = arith.constant 1.000000e+00 : f32
      %sub3A_156 = vector.broadcast %sub3A_155 : f32 to vector<1x512xf32>
      %sub3A_157 = arith.subf %sub3A_156, %max3A_59 : vector<1x512xf32>
      %max3A_158 = arith.constant 9.99999997E-7 : f32
      %max3A_159 = vector.broadcast %max3A_158 : f32 to vector<1x512xf32>
      %max3A_160 = arith.maximumf %sub3A_157, %max3A_159 : vector<1x512xf32>
      %sqrt3A_161 = math.sqrt %max3A_160 : vector<1x512xf32>
      %mul3A_162 = arith.constant 1.41421294 : f32
      %mul3A_163 = vector.broadcast %mul3A_162 : f32 to vector<1x512xf32>
      %mul3A_164 = arith.mulf %mul3A_163, %sqrt3A_161 : vector<1x512xf32>
      %div3A = arith.divf %mul3A_154, %mul3A_164 : vector<1x512xf32>
      %lt3A = arith.constant 1.000000e+00 : f32
      %lt3A_165 = vector.broadcast %lt3A : f32 to vector<1x512xf32>
      %lt3A_166 = arith.cmpf olt, %div3A, %lt3A_165 : vector<1x512xf32>
      %convert_element_type3A_167 = arith.extui %lt3A_166 : vector<1x512xi1> to vector<1x512xi32>
      %swap3A_168 = arith.index_cast %arg0 : i32 to index
      %swap3A_169 = arith.constant 0 : index
      %swap3A_170 = vector.load %arg9[%swap3A_168, %swap3A_169] : memref<16x512xi32, #tpu.memory_space<vmem>>, vector<1x512xi32>
      tpu.vector_store %arg9[%swap3A_168, %swap3A_169], %convert_element_type3A_167 {strides = array<i32>} : memref<16x512xi32, #tpu.memory_space<vmem>>, vector<1x512xi32>,
    } else {
    }
    %reduce_max3A_72 = arith.constant dense<0xFF800000> : vector<8192xf32>
    %reduce_max3A_73 = vector.multi_reduction <maximumf>, %dot_general3A_5, %reduce_max3A_72 [0] : vector<512x8192xf32> to vector<8192xf32>
    %broadcast_in_dim3A_74 = vector.shape_cast %reduce_max3A_73 : vector<8192xf32> to vector<1x8192xf32>
    %eq3A_75 = vector.broadcast %broadcast_in_dim3A_74 : vector<1x8192xf32> to vector<512x8192xf32>
    %eq3A_76 = arith.cmpf oeq, %dot_general3A_5, %eq3A_75 : vector<512x8192xf32>
    %convert_element_type3A_77 = arith.extui %eq3A_76 : vector<512x8192xi1> to vector<512x8192xi32>
    %convert_element_type3A_78 = arith.sitofp %convert_element_type3A_77 : vector<512x8192xi32> to vector<512x8192xf32>
    %convert_element_type3A_79 = arith.truncf %convert_element_type3A_78 : vector<512x8192xf32> to vector<512x8192xbf16>
    %get3A_80 = arith.constant 0 : index
    %get3A_81 = arith.constant 0 : index
    %get3A_82 = vector.load %arg5[%get3A_80, %get3A_81] : memref<3x512xbf16, #tpu.memory_space<vmem>>, vector<3x512xbf16>
    %dot_general3A_83 = arith.constant dense<0.000000e+00> : vector<3x8192xf32>
    %dot_general3A_84 = tpu.matmul %get3A_82, %convert_element_type3A_79, %dot_general3A_83 {dimension_numbers = #tpu.dot_dimension_numbers<[1], [0], [0], [1], [0, 0, 1, 1], [], []>, transpose_lhs_hint = false} : vector<3x512xbf16>, vector<512x8192xbf16>, vector<3x8192xf32> -> vector<3x8192xf32>
    %slice3A_85 = vector.extract_strided_slice %dot_general3A_84 {offsets = [0, 0], sizes = [1, 8192], strides = [1, 1]} : vector<3x8192xf32> to vector<1x8192xf32>
    %mul3A_86 = arith.constant 3.200000e+01 : f32
    %mul3A_87 = vector.broadcast %mul3A_86 : f32 to vector<1x8192xf32>
    %mul3A_88 = arith.mulf %slice3A_85, %mul3A_87 : vector<1x8192xf32>
    %slice3A_89 = vector.extract_strided_slice %dot_general3A_84 {offsets = [1, 0], sizes = [1, 8192], strides = [1, 1]} : vector<3x8192xf32> to vector<1x8192xf32>
    %add3A_90 = arith.addf %mul3A_88, %slice3A_89 : vector<1x8192xf32>
    %convert_element_type3A_91 = arith.fptosi %add3A_90 : vector<1x8192xf32> to vector<1x8192xi32>
    %mul3A_92 = arith.constant 512 : i32
    %mul3A_93 = arith.muli %arg0, %mul3A_92 : i32
    %add3A_94 = vector.broadcast %mul3A_93 : i32 to vector<1x8192xi32>
    %add3A_95 = arith.addi %convert_element_type3A_91, %add3A_94 : vector<1x8192xi32>
    %slice3A_96 = vector.extract_strided_slice %dot_general3A_84 {offsets = [2, 0], sizes = [1, 8192], strides = [1, 1]} : vector<3x8192xf32> to vector<1x8192xf32>
    %jit3A_97 = arith.constant 0xFF800000 : f32
    %broadcast_in_dim3A_98 = vector.broadcast %jit3A_97 : f32 to vector<512x8192xf32>
    %select_n3A_99 = arith.select %eq3A_76, %broadcast_in_dim3A_98, %dot_general3A_5 : vector<512x8192xi1>, vector<512x8192xf32>
    %reduce_max3A_100 = arith.constant dense<0xFF800000> : vector<8192xf32>
    %reduce_max3A_101 = vector.multi_reduction <maximumf>, %select_n3A_99, %reduce_max3A_100 [0] : vector<512x8192xf32> to vector<8192xf32>
    %broadcast_in_dim3A_102 = vector.shape_cast %reduce_max3A_101 : vector<8192xf32> to vector<1x8192xf32>
    %gt3A_103 = arith.constant 1.500000e+00 : f32
    %gt3A_104 = vector.broadcast %gt3A_103 : f32 to vector<1x8192xf32>
    %gt3A_105 = arith.cmpf ogt, %slice3A_96, %gt3A_104 : vector<1x8192xf32>
    %select_n3A_106 = arith.select %gt3A_105, %broadcast_in_dim3A_74, %broadcast_in_dim3A_102 : vector<1x8192xi1>, vector<1x8192xf32>
    %eq3A_107 = arith.constant 0 : i32
    %eq3A_108 = arith.cmpi eq, %arg0, %eq3A_107 : i32
    %get3A_109 = arith.index_cast %arg1 : i32 to index
    %get3A_110 = arith.constant 0 : index
    %get3A_111 = vector.load %arg10[%get3A_109, %get3A_110] : memref<1x8192xf32, #tpu.memory_space<vmem>>, vector<1x8192xf32>
    %jit3A_112 = arith.constant -3.000000e+00 : f32
    %broadcast_in_dim3A_113 = vector.broadcast %jit3A_112 : f32 to vector<1x8192xf32>
    %select_n3A_114 = arith.select %eq3A_108, %broadcast_in_dim3A_113, %get3A_111 : vector<1x8192xf32>
    %get3A_115 = arith.index_cast %arg1 : i32 to index
    %get3A_116 = arith.constant 0 : index
    %get3A_117 = vector.load %arg11[%get3A_115, %get3A_116] : memref<1x8192xi32, #tpu.memory_space<vmem>>, vector<1x8192xi32>
    %jit3A_118 = arith.constant 0 : i32
    %broadcast_in_dim3A_119 = vector.broadcast %jit3A_118 : i32 to vector<1x8192xi32>
    %select_n3A_120 = arith.select %eq3A_108, %broadcast_in_dim3A_119, %get3A_117 : vector<1x8192xi32>
    %get3A_121 = arith.index_cast %arg1 : i32 to index
    %get3A_122 = arith.constant 0 : index
    %get3A_123 = vector.load %arg12[%get3A_121, %get3A_122] : memref<1x8192xf32, #tpu.memory_space<vmem>>, vector<1x8192xf32>
    %jit3A_124 = arith.constant -3.000000e+00 : f32
    %broadcast_in_dim3A_125 = vector.broadcast %jit3A_124 : f32 to vector<1x8192xf32>
    %select_n3A_126 = arith.select %eq3A_108, %broadcast_in_dim3A_125, %get3A_123 : vector<1x8192xf32>
    %gt3A_127 = arith.cmpf ogt, %broadcast_in_dim3A_74, %select_n3A_114 : vector<1x8192xf32>
    %select_n3A_128 = arith.select %gt3A_127, %broadcast_in_dim3A_74, %select_n3A_114 : vector<1x8192xi1>, vector<1x8192xf32>
    %select_n3A_129 = arith.select %gt3A_127, %add3A_95, %select_n3A_120 : vector<1x8192xi1>, vector<1x8192xi32>
    %min3A_130 = arith.minimumf %select_n3A_114, %broadcast_in_dim3A_74 : vector<1x8192xf32>
    %max3A_131 = arith.maximumf %select_n3A_126, %select_n3A_106 : vector<1x8192xf32>
    %max3A_132 = arith.maximumf %min3A_130, %max3A_131 : vector<1x8192xf32>
    %swap3A_133 = arith.index_cast %arg1 : i32 to index
    %swap3A_134 = arith.constant 0 : index
    %swap3A_135 = vector.load %arg10[%swap3A_133, %swap3A_134] : memref<1x8192xf32, #tpu.memory_space<vmem>>, vector<1x8192xf32>
    tpu.vector_store %arg10[%swap3A_133, %swap3A_134], %select_n3A_128 {strides = array<i32>} : memref<1x8192xf32, #tpu.memory_space<vmem>>, vector<1x8192xf32>,
    %swap3A_136 = arith.index_cast %arg1 : i32 to index
    %swap3A_137 = arith.constant 0 : index
    %swap3A_138 = vector.load %arg11[%swap3A_136, %swap3A_137] : memref<1x8192xi32, #tpu.memory_space<vmem>>, vector<1x8192xi32>
    tpu.vector_store %arg11[%swap3A_136, %swap3A_137], %select_n3A_129 {strides = array<i32>} : memref<1x8192xi32, #tpu.memory_space<vmem>>, vector<1x8192xi32>,
    %swap3A_139 = arith.index_cast %arg1 : i32 to index
    %swap3A_140 = arith.constant 0 : index
    %swap3A_141 = vector.load %arg12[%swap3A_139, %swap3A_140] : memref<1x8192xf32, #tpu.memory_space<vmem>>, vector<1x8192xf32>
    tpu.vector_store %arg12[%swap3A_139, %swap3A_140], %max3A_132 {strides = array<i32>} : memref<1x8192xf32, #tpu.memory_space<vmem>>, vector<1x8192xf32>,
    %eq3A_142 = arith.constant 15 : i32
    %eq3A_143 = arith.cmpi eq, %arg0, %eq3A_142 : i32
    %convert_element_type3A_144 = arith.extui %eq3A_143 : i1 to i32
    %cond3A_145 = arith.constant 0 : i32
    %cond3A_146 = arith.cmpi ne, %convert_element_type3A_144, %cond3A_145 : i32
    scf.if %cond3A_146 {
      %sub3A = arith.constant 1.000000e+00 : f32
      %sub3A_147 = vector.broadcast %sub3A : f32 to vector<1x8192xf32>
      %sub3A_148 = arith.subf %sub3A_147, %select_n3A_128 : vector<1x8192xf32>
      %max3A_149 = arith.constant 9.99999997E-7 : f32
      %max3A_150 = vector.broadcast %max3A_149 : f32 to vector<1x8192xf32>
      %max3A_151 = arith.maximumf %sub3A_148, %max3A_150 : vector<1x8192xf32>
      %sqrt3A = math.sqrt %max3A_151 : vector<1x8192xf32>
      %mul3A_152 = arith.constant 1.41421294 : f32
      %mul3A_153 = vector.broadcast %mul3A_152 : f32 to vector<1x8192xf32>
      %mul3A_154 = arith.mulf %mul3A_153, %sqrt3A : vector<1x8192xf32>
      %sub3A_155 = arith.constant 1.000000e+00 : f32
      %sub3A_156 = vector.broadcast %sub3A_155 : f32 to vector<1x8192xf32>
      %sub3A_157 = arith.subf %sub3A_156, %max3A_132 : vector<1x8192xf32>
      %max3A_158 = arith.constant 9.99999997E-7 : f32
      %max3A_159 = vector.broadcast %max3A_158 : f32 to vector<1x8192xf32>
      %max3A_160 = arith.maximumf %sub3A_157, %max3A_159 : vector<1x8192xf32>
      %sqrt3A_161 = math.sqrt %max3A_160 : vector<1x8192xf32>
      %mul3A_162 = arith.constant 1.41421294 : f32
      %mul3A_163 = vector.broadcast %mul3A_162 : f32 to vector<1x8192xf32>
      %mul3A_164 = arith.mulf %mul3A_163, %sqrt3A_161 : vector<1x8192xf32>
      %div3A = arith.divf %mul3A_154, %mul3A_164 : vector<1x8192xf32>
      %lt3A = arith.constant 1.000000e+00 : f32
      %lt3A_165 = vector.broadcast %lt3A : f32 to vector<1x8192xf32>
      %lt3A_166 = arith.cmpf olt, %div3A, %lt3A_165 : vector<1x8192xf32>
      %convert_element_type3A_167 = arith.extui %lt3A_166 : vector<1x8192xi1> to vector<1x8192xi32>
      %swap3A_168 = arith.index_cast %arg1 : i32 to index
      %swap3A_169 = arith.constant 0 : index
      %swap3A_170 = vector.load %arg13[%swap3A_168, %swap3A_169] : memref<1x8192xi32, #tpu.memory_space<vmem>>, vector<1x8192xi32>
      tpu.vector_store %arg13[%swap3A_168, %swap3A_169], %convert_element_type3A_167 {strides = array<i32>} : memref<1x8192xi32, #tpu.memory_space<vmem>>, vector<1x8192xi32>,
    } else {
    }
    return
  }
  func.func @transform_0(%arg0: i32, %arg1: i32) -> (i32, i32) {
    %c0_i32 = arith.constant 0 : i32
    %c0_i32_0 = arith.constant 0 : i32
    return %c0_i32, %arg0 : i32, i32
  }
  func.func @transform_1(%arg0: i32, %arg1: i32) -> (i32, i32) {
    %c0_i32 = arith.constant 0 : i32
    %c0_i32_0 = arith.constant 0 : i32
    return %c0_i32, %arg1 : i32, i32
  }
  func.func @transform_2(%arg0: i32, %arg1: i32) -> (i32, i32) {
    %c0_i32 = arith.constant 0 : i32
    %c0_i32_0 = arith.constant 0 : i32
    %c0_i32_1 = arith.constant 0 : i32
    return %c0_i32, %c0_i32_0 : i32, i32
  }
  func.func @transform_3(%arg0: i32, %arg1: i32) -> (i32, i32) {
    %c0_i32 = arith.constant 0 : i32
    %c0_i32_0 = arith.constant 0 : i32
    %c0_i32_1 = arith.constant 0 : i32
    return %c0_i32, %c0_i32_0 : i32, i32
  }
  func.func @transform_4(%arg0: i32, %arg1: i32) -> (i32, i32) {
    %c0_i32 = arith.constant 0 : i32
    %c0_i32_0 = arith.constant 0 : i32
    %c0_i32_1 = arith.constant 0 : i32
    return %c0_i32, %c0_i32_0 : i32, i32
  }
  func.func @transform_5(%arg0: i32, %arg1: i32) -> (i32, i32) {
    %c0_i32 = arith.constant 0 : i32
    %c0_i32_0 = arith.constant 0 : i32
    %c0_i32_1 = arith.constant 0 : i32
    return %c0_i32, %c0_i32_0 : i32, i32
  }
  func.func @transform_6(%arg0: i32, %arg1: i32) -> (i32, i32) {
    %c0_i32 = arith.constant 0 : i32
    %c0_i32_0 = arith.constant 0 : i32
    %c0_i32_1 = arith.constant 0 : i32
    return %c0_i32, %c0_i32_0 : i32, i32
  }
  func.func @transform_7(%arg0: i32, %arg1: i32) -> (i32, i32) {
    %c0_i32 = arith.constant 0 : i32
    %c0_i32_0 = arith.constant 0 : i32
    %c0_i32_1 = arith.constant 0 : i32
    return %c0_i32, %c0_i32_0 : i32, i32
  }
  func.func @transform_8(%arg0: i32, %arg1: i32) -> (i32, i32) {
    %c0_i32 = arith.constant 0 : i32
    %c0_i32_0 = arith.constant 0 : i32
    %c0_i32_1 = arith.constant 0 : i32
    return %c0_i32, %c0_i32_0 : i32, i32
  }
  func.func @transform_9(%arg0: i32, %arg1: i32) -> (i32, i32) {
    %c0_i32 = arith.constant 0 : i32
    %c0_i32_0 = arith.constant 0 : i32
    %c0_i32_1 = arith.constant 0 : i32
    return %c0_i32, %c0_i32_0 : i32, i32
  }
  func.func @transform_10(%arg0: i32, %arg1: i32) -> (i32, i32) {
    %c0_i32 = arith.constant 0 : i32
    %c0_i32_0 = arith.constant 0 : i32
    %c0_i32_1 = arith.constant 0 : i32
    return %c0_i32, %c0_i32_0 : i32, i32
  }
  func.func @transform_11(%arg0: i32, %arg1: i32) -> (i32, i32) {
    %c0_i32 = arith.constant 0 : i32
    %c0_i32_0 = arith.constant 0 : i32
    %c0_i32_1 = arith.constant 0 : i32
    return %c0_i32, %c0_i32_0 : i32, i32
  }
}

</mosaic_0001>

<sc_bundles>
// kernel: kernel.4.cloned.1.call-start
scs
__scs_entry_jumppad:
0x0: {  	(pc) =	sbr.rel $0x88, $3  }
0x1: {  	(tag) =	ssettag $0x0;
	lr =	simm.s32 $0x1  }
0x2: {  	[smem:$0x3F9F] =	sst lr;
	_ =	strace $0xD0000000  }
0x3: {  	_ = 	snop  }
0x4: {  	_ = 	snop  }
0x5: {  	_ = 	snop  }
0x6: {  	_ = 	snop  }
0x7: {  	_ = 	snop  }
__scs_overlays_trampoline_lowered:
0x8: {  	[smem:$0x3FAE] =	sst s0  }
0x9: {  	[smem:$0x3FAF] =	sst s1  }
0xa: {  	[smem:$0x3FB0] =	sst s2  }
0xb: {  	[smem:$0x3FB1] =	sst s3  }
0xc: {  	[smem:$0x3FB2] =	sst s4  }
0xd: {  	[smem:$0x3FB3] =	sst s5  }
0xe: {  	[smem:$0x3FB4] =	sst s6  }
0xf: {  	[smem:$0x3FB5] =	sst s7  }
0x10: {  	[smem:$0x3FB6] =	sst s8  }
0x11: {  	[smem:$0x3FB7] =	sst s9;
	s0 =	simm.s32 @!p0 $0x0  }
0x12: {  	s1 =	sld [smem:$0x3F9D];
	s0 =	simm.s32 @p0 $0x1  }
0x13: {  	[smem:$0x3FB8] =	sst s0;
	s0 =	simm.s32 @!p1 $0x0  }
0x14: {  	s2 =	sld [smem:$0x3F9C];
	s0 =	simm.s32 @p1 $0x1  }
0x15: {  	[smem:$0x3FB9] =	sst s0;
	s0 =	simm.s32 @!p2 $0x0  }
0x16: {  	s3 =	sld [smem:$0x3FDB];
	s0 =	simm.s32 @p2 $0x1  }
0x17: {  	s4 =	simm.s32 $0x1BF5;
	[smem:$0x3FBB] =	sst s0  }
0x18: {  	s0 =	sld [smem:$0x3F9E];
	_ =	swait.ge [sflag:s4], $0x0  }
0x19: {  	s7 =	sld [smem:$0x3F9F]  }
0x1a: {  	s8 =	sadd.s32 $0xFFFFE003, lr  }
0x1b: {  	s9 =	sadd.s32 $0xFFFFFEF7, lr;
	s5 =	simm.s32 $0xFFFFFFFF;
	p2 =	slt.u32 s8, $0xFFFFF086  }
0x1c: {  	p1 =	slt.u32 s9, $0xF7A;
	s5 =	simm.s32 @!p2 $0x0  }
0x1d: {  	s5 =	simm.s32 @p1 $0x1;
	p0 =	seq.s32 s7, s2  }
0x1e: {  	s7 =	smul.u32 @!p0 $0xF7A, s2;
	p2 =	seq.s32 @!p0 s5, $0x0  }
0x1f: {  	s9 =	smul.u32 $0xF7A, s1;
	s8 =	simm.s32 @!p0 $0x1BF5;
	p2 =	por !p2, p0  }
0x20: {  	[sflag:s8] =	ssyncset.s32 @!p0 $0xFFFFF086;
	s6 =	sadd.s32 @!p0 s3, s7;
	s7 =	simm.s32 @!p0 $0x108  }
0x21: {  	s3 =	sadd.s32 s3, s9;
	s6 =	sadd.s32 @!p0 $0x88, s6;
	s7 =	simm.s32 @p2 $0x1082  }
0x22: {  	[simem:s7], [sflag:s8] =	dma.local @!p0 [hbm:s6], $0xF7A  }
0x23: {  	s9 =	sor.u32 $0xD0000000, s2;
	s6 =	simm.s32 $0x108;
	_ =	swait.ge @!p0 [sflag:s8], $0x0  }
0x24: {  	s3 =	sadd.s32 $0x88, s3;
	s6 =	simm.s32 @!p1 $0x1082;
	[sflag:s4] =	ssyncset.s32 $0xFFFFF086  }
0x25: {  	[simem:s6], [sflag:s4] =	dma.local [hbm:s3], $0xF7A  }
0x26: {  	[smem:$0x3F9F] =	sst s1;
	(tag) =	ssettag s2;
	_ =	strace s9  }
0x27: {  	s1 =	sld [smem:$0x3FAF]  }
0x28: {  	s2 =	sld [smem:$0x3FB0]  }
0x29: {  	s4 =	sld [smem:$0x3FB2]  }
0x2a: {  	p0 =	seq.s32 s5, $0x0;
	s5 =	sld [smem:$0x3FB3]  }
0x2b: {  	s6 =	sld [smem:$0x3FB4]  }
0x2c: {  	s7 =	sld [smem:$0x3FB5]  }
0x2d: {  	s3 =	simm.s32 $0x108;
	s8 =	sld [smem:$0x3FB6]  }
0x2e: {  	s3 =	simm.s32 @!p0 $0x1082;
	s9 =	sld [smem:$0x3FB7]  }
0x2f: {  	lr =	sadd.s32 s0, s3;
	s0 =	sld [smem:$0x3FAE]  }
0x30: {  	s3 =	sld [smem:$0x3FB1]  }
0x31: {  	[smem:$0x3FBA] =	sst s10  }
0x32: {  	s10 =	sld [smem:$0x3FB8];
	_ =	sdelay $0x3  }
0x33: {  	p0 =	seq.s32 s10, $0x1;
	s10 =	sld [smem:$0x3FBA];
	_ =	sdelay $0x3  }
0x34: {  	[smem:$0x3FBA] =	sst s10  }
0x35: {  	s10 =	sld [smem:$0x3FB9];
	_ =	sdelay $0x3  }
0x36: {  	p1 =	seq.s32 s10, $0x1;
	s10 =	sld [smem:$0x3FBA];
	_ =	sdelay $0x3  }
0x37: {  	[smem:$0x3FBA] =	sst s10  }
0x38: {  	s10 =	sld [smem:$0x3FBB]  }
0x39: {  	_ = 	snop;
	(pc) =	sbr.ind lr, $3  }
0x3a: {  	_ = 	snop  }
0x3b: {  	_ = 	snop  }
0x3c: {  	p2 =	seq.s32 s10, $0x1;
	s10 =	sld [smem:$0x3FBA]  }
0x3d: {  	_ =	shalt  }
0x3e: {  	_ =	shalt  }
0x3f: {  	_ =	shalt  }
0x40: {  	_ =	shalt  }
0x41: {  	_ =	shalt  }
0x42: {  	_ =	shalt  }
0x43: {  	_ =	shalt  }
0x44: {  	_ =	shalt  }
0x45: {  	_ =	shalt  }
0x46: {  	_ =	shalt  }
0x47: {  	_ =	shalt  }
0x48: {  	_ =	shalt  }
0x49: {  	_ =	shalt  }
0x4a: {  	_ =	shalt  }
0x4b: {  	_ =	shalt  }
0x4c: {  	_ =	shalt  }
0x4d: {  	_ =	shalt  }
0x4e: {  	_ =	shalt  }
0x4f: {  	_ =	shalt  }
0x50: {  	_ =	shalt  }
0x51: {  	_ =	shalt  }
0x52: {  	_ =	shalt  }
0x53: {  	_ =	shalt  }
0x54: {  	_ =	shalt  }
0x55: {  	_ =	shalt  }
0x56: {  	_ =	shalt  }
0x57: {  	_ =	shalt  }
0x58: {  	_ =	shalt  }
0x59: {  	_ =	shalt  }
0x5a: {  	_ =	shalt  }
0x5b: {  	_ =	shalt  }
0x5c: {  	_ =	shalt  }
0x5d: {  	_ =	shalt  }
0x5e: {  	_ =	shalt  }
0x5f: {  	_ =	shalt  }
0x60: {  	_ =	shalt  }
0x61: {  	_ =	shalt  }
0x62: {  	_ =	shalt  }
0x63: {  	_ =	shalt  }
0x64: {  	_ =	shalt  }
0x65: {  	_ =	shalt  }
0x66: {  	_ =	shalt  }
0x67: {  	_ =	shalt  }
0x68: {  	_ =	shalt  }
0x69: {  	_ =	shalt  }
0x6a: {  	_ =	shalt  }
0x6b: {  	_ =	shalt  }
0x6c: {  	_ =	shalt  }
0x6d: {  	_ =	shalt  }
0x6e: {  	_ =	shalt  }
0x6f: {  	_ =	shalt  }
0x70: {  	_ =	shalt  }
0x71: {  	_ =	shalt  }
0x72: {  	_ =	shalt  }
0x73: {  	_ =	shalt  }
0x74: {  	_ =	shalt  }
0x75: {  	_ =	shalt  }
0x76: {  	_ =	shalt  }
0x77: {  	_ =	shalt  }
0x78: {  	_ =	shalt  }
0x79: {  	_ =	shalt  }
0x7a: {  	_ =	shalt  }
0x7b: {  	_ =	shalt  }
0x7c: {  	_ =	shalt  }
0x7d: {  	_ =	shalt  }
0x7e: {  	_ =	shalt  }
0x7f: {  	_ =	shalt  }
0x80: {  	_ =	shalt  }
0x81: {  	_ =	shalt  }
0x82: {  	_ =	shalt  }
0x83: {  	_ =	shalt  }
0x84: {  	_ =	shalt  }
0x85: {  	_ =	shalt  }
0x86: {  	_ =	shalt  }
0x87: {  	_ =	shalt  }
.Lfunc_end0:
.L_simem_size_0:
called_computation_lowered:
.L_overlay_start_0:
0x88: {  	s2 =	sld [smem:$0x3FD9]  }
0x89: {  	s3 =	sld [smem:$0x3FFE];
	_ =	sdelay $0x1  }
0x8a: {  	s1 =	srdreg.scid  }
0x8b: {  	s0 =	sand.u32 $0x1, s1  }
0x8c: {  	s14 =	sshll.u32 s0, $0xA;
	s2 =	sadd.s32 s3, s2  }
0x8d: {  	s2 =	sadd.s32 s2, s14  }
0x8e: {  	[smem:$0x3FC6] =	sst s2  }
0x8f: {  	_ = 	snop  }
0x90: {  	s2 =	sld [smem:$0x3FD0];
	_ =	sdelay $0x2  }
0x91: {  	s15 =	simm.s32 $0xA;
	s4 =	simm.s32 $0x10  }
0x92: {  	[smem:s4], [sflag:s15] =	dma.local [hbm:s2], $0x1  }
0x93: {  	_ =	swait.eq [sflag:s15], $0x1  }
0x94: {  	s16 =	sld [smem:$0x10]  }
0x95: {  	s17 =	sld [smem:$0x11];
	[sflag:s15] =	ssyncset.done $0x0  }
0x96: {  	s5 =	sld [smem:$0x12];
	[sflag:s15] =	ssyncadd.s32 $0xFFFFFFFF  }
0x97: {  	s18 =	sld [smem:$0x13];
	(tm) =	ssettm $0x1  }
0x98: {  	s6 =	sld [smem:$0x3FFB];
	_ =	sdelay $0x3  }
0x99: {  	_ =	strace s6  }
0x9a: {  	s6 =	sld [smem:$0x3FFC];
	_ =	sdelay $0x3  }
0x9b: {  	_ =	strace s6  }
0x9c: {  	s6 =	sld [smem:$0x3FFD];
	_ =	sdelay $0x3  }
0x9d: {  	_ =	strace s6  }
0x9e: {  	_ =	strace $0x8FFFFFFF  }
0x9f: {  	s19 =	sld [smem:$0x3FDB];
	_ =	sdelay $0x1  }
0xa0: {  	s7 =	simm.s32 $_scs_section_size  }
0xa1: {  	s8 =	simm.s32 $_size__tile_overlayer_lowered;
	s9 =	simm.s32 $_tile_overlayer_lowered  }
0xa2: {  	s22 =	simm.s32 $0x1BFF;
	s21 =	sshll.u32 s9, $0x1;
	s6 =	sadd.s32 s7, s19  }
0xa3: {  	s10 =	simm.s32 $0x0;
	s20 =	sshll.u32 s8, $0x1;
	s8 =	sadd.s32 s21, s6  }
0xa4: {  	[timem:s10], [sflag:s22] =	dma.local [hbm:s8], s20  }
0xa5: {  	_ =	swait.ge [sflag:s22], s20  }
0xa6: {  	s7 =	ssub.s32 $0x0, s20;
	[sflag:s22] =	ssyncset.done $0x0  }
0xa7: {  	[sflag:s22] =	ssyncadd.s32 s7;
	_ =	sdelay $0x1  }
0xa8: {  	s23 =	simm.s32 $0x1B8B  }
0xa9: {  	_ =	swait.ge [sflag:s23], $0x1  }
0xaa: {  	[sflag:s23] =	ssyncset.done $0x0  }
0xab: {  	s25 =	simm.s32 $0x1B8E;
	s24 =	sld [smem:$0x3FFE];
	[sflag:s23] =	ssyncadd.s32 $0xFFFFFFFF  }
0xac: {  	s26 =	simm.s32 $execute0_lowered;
	[smem:$0x3FD2] =	sst s25  }
0xad: {  	s8 =	sshll.u32 s26, $0x1;
	_ =	strace $0x80000046;
	[dreg:$0x1] =	wrdreg $0xFFFFFFFF  }
0xae: {  	s28 =	simm.s32 $_size_execute0_lowered;
	s6 =	sadd.s32 s6, s8;
	[dreg:$0x0] =	wrdreg $0x0  }
0xaf: {  	s8 =	sshll.u32 s28, $0x1;
	[dreg:$0x2] =	wrdreg s6  }
0xb0: {  	[dreg:$0x3] =	wrdreg s8  }
0xb1: {  	[dreg:$0x4] =	wrdreg $0xC0  }
0xb2: {  	_ =	task [dreg:s10], $0x5FFFF  }
0xb3: {  	[dreg:$0x1] =	wrdreg $0xFFFFFFFF  }
0xb4: {  	[dreg:$0x0] =	wrdreg $0x60  }
0xb5: {  	[dreg:$0x2] =	wrdreg s18  }
0xb6: {  	[dreg:$0x3] =	wrdreg s17  }
0xb7: {  	[dreg:$0x4] =	wrdreg s24  }
0xb8: {  	[dreg:$0x5] =	wrdreg s16  }
0xb9: {  	[dreg:$0x6] =	wrdreg s5  }
0xba: {  	[dreg:$0x7] =	wrdreg $0x9  }
0xbb: {  	_ =	task.clear_ibuf [dreg:s10], $0x8FFFF;
	_ =	strace $0x90000046  }
0xbc: {  	s29 =	simm.s32 $0x9;
	_ =	strace $0x80000048  }
0xbd: {  	_ =	swait.ge [sflag:s29], $0x1  }
0xbe: {  	[sflag:s29] =	ssyncadd.s32 $0xFFFFFFFF  }
0xbf: {  	_ =	strace $0x90000048  }
0xc0: {  	_ =	sfence  }
0xc1: {  	s30 =	sld [smem:$0x0];
	_ =	sdelay $0x2  }
0xc2: {  	s31 =	sshll.u32 s1, $0xD;
	s1 =	sshrl.u32 s1, $0x2  }
0xc3: {  	s3 =	sand.u32 $0x4000, s31;
	s1 =	sadd.s32 s1, s30  }
0xc4: {  	s0 =	sor.u32 s3, s0;
	s1 =	sshll.u32 s1, $0x11  }
0xc5: {  	s0 =	sor.u32 s1, s0  }
0xc6: {  	s0 =	sadd.s32 $0x8F2B, s0  }
0xc7: {  	[sflag:s0] =	ssyncadd.remote.s32 $0x1  }
0xc8: {  	_ =	sfence.sel $0xFFFF  }
0xc9: {  	[dreg:$0x0] =	wrdreg $0xFFFFFFFF;
	(pc) =	sbr.abs _section_cstart, $3  }
0xca: {  	[dreg:$0x1] =	wrdreg $0xFFFFFFFF  }
0xcb: {  	_ =	task.clear_ibuf [dreg:s10], $0x2FFFF;
	_ =	strace $0x9FFFFFFF  }
0xcc: {  	(tm) =	ssettm $0x7FFFFFFF  }
0xcd: {  	_ =	shalt  }
tec
execute0_lowered:
.L_overlay_start_1:
0x0: {  	(tag) =	ssettag $0x1  }
0x1: {  	s5 =	rddreg [dreg:$0x0]  }
0x2: {  	s6 =	rddreg [dreg:$0x1]  }
0x3: {  	s4 =	rddreg [dreg:$0x2]  }
0x4: {  	s7 =	rddreg [dreg:$0x3]  }
0x5: {  	s8 =	rddreg [dreg:$0x4]  }
0x6: {  	s0 =	rddreg [dreg:$0x5]  }
0x7: {  	s2 =	simm.s32 $0x0;
	s3 =	srdreg.scid;
	s1 =	stileid.u32  }
0x8: {  	[smem:$0x7FF] =	sst s2;
	s3 =	sand.u32 $0x1, s3;
	s10 =	sshll.u32 s1, $0x9  }
0x9: {  	_ =	strace $0x80000047;
	s9 =	ssub.s32 $0x2, s3;
	s11 =	sshll.u32 s3, $0x8  }
0xa: {  	s3 =	sadd.s32 $0x1600, s4;
	s12 =	sshrl.u32 s9, $0x1;
	s10 =	sor.u32 s11, s10  }
0xb: {  	s4 =	sadd.s32 $0x1A00, s4;
	s9 =	ssub.s32 s9, s12;
	s11 =	sshrl.u32 s10, $0x3  }
0xc: {  	s23 =	sor.u32 $0x10, s10;
	s13 =	sor.u32 $0x20, s10;
	s14 =	sor.u32 $0x30, s10  }
0xd: {  	s15 =	sor.u32 $0x40, s10;
	s16 =	sor.u32 $0x50, s10;
	s17 =	sor.u32 $0x60, s10  }
0xe: {  	v15 =	vlaneseq.u32;
	s18 =	sor.u32 $0x70, s10;
	s24 =	sor.u32 $0x80, s10;
	s25 =	sor.u32 $0x90, s10  }
0xf: {  	v16 =	vimm.s32 $0x0;
	s19 =	sor.u32 $0xA0, s10;
	s26 =	sor.u32 $0xB0, s10;
	s28 =	sor.u32 $0xC0, s10;
	v6 =	vor.u32 s10, v15  }
0x10: {  	s29 =	sor.u32 $0xD0, s10;
	s30 =	sor.u32 $0xE0, s10;
	s31 =	sor.u32 $0xF0, s10;
	v0 =	vor.u32 s23, v15;
	v1 =	vor.u32 s13, v15;
	v2 =	vor.u32 s14, v15  }
0x11: {  	s10 =	simm.s32 $0x2;
	s12 =	simm.s32 $0x200;
	s5 =	sadd.s32 s5, s11;
	v3 =	vor.u32 s15, v15;
	v4 =	vor.u32 s16, v15;
	v5 =	vor.u32 s17, v15  }
0x12: {  	s6 =	sadd.s32 s6, s11;
	v7 =	vor.u32 s18, v15;
	s7 =	sadd.s32 s7, s11;
	v8 =	vor.u32 s24, v15;
	v9 =	vor.u32 s25, v15;
	s8 =	sadd.s32 s8, s11  }
0x13: {  	v10 =	vor.u32 s19, v15;
	s9 =	smax.u32 s9, $0x1;
	v11 =	vor.u32 s26, v15;
	v12 =	vor.u32 s28, v15;
	s11 =	simm.s32 $0x100;
	s13 =	simm.s32 $0x1  }
0x14: {  	v13 =	vor.u32 s29, v15;
	v14 =	vor.u32 s30, v15;
	v15 =	vor.u32 s31, v15;
	s14 =	simm.s32 $0x300;
	s15 =	simm.s32 $0x400;
	s16 =	simm.s32 $0x500  }
.LBB2_1:
0x15: {  	[tilespmem:s2], [sflag:$0x2] =	stream.linear.gather [hbm4b:s5+s2], $0x100, $0x38;
	[tilespmem:$0x600] =	vst v63  }
0x16: {  	_ =	swait.ge [sflag:s10], $0x100  }
0x17: {  	[sflag:s10] =	ssyncset.done $0x0  }
0x18: {  	[sflag:s10] =	ssyncadd.s32 $0xFFFFFF00  }
0x19: {  	[tilespmem:s11], [sflag:$0x2] =	stream.linear.gather [hbm4b:s6+s2], $0x100, $0x38;
	[tilespmem:$0x600] =	vst v63  }
0x1a: {  	_ =	swait.ge [sflag:s10], $0x100  }
0x1b: {  	[sflag:s10] =	ssyncset.done $0x0  }
0x1c: {  	[sflag:s10] =	ssyncadd.s32 $0xFFFFFF00  }
0x1d: {  	[tilespmem:s12], [sflag:$0x1] =	stream.indirect.gather [hbm4b:s3+s11], $0x1, s2, s11, $0xb8;
	[tilespmem:$0x600] =	vst v63  }
0x1e: {  	_ =	swait.ge [sflag:s13], $0x100  }
0x1f: {  	[sflag:s13] =	ssyncset.done $0x0  }
0x20: {  	[sflag:s13] =	ssyncadd.s32 $0xFFFFFF00  }
0x21: {  	[tilespmem:s14], [sflag:$0x1] =	stream.indirect.gather [hbm4b:s4+s11], $0x1, s2, s11, $0xb8;
	[tilespmem:$0x600] =	vst v63  }
0x22: {  	_ =	swait.ge [sflag:s13], $0x100  }
0x23: {  	[sflag:s13] =	ssyncset.done $0x0  }
0x24: {  	[sflag:s13] =	ssyncadd.s32 $0xFFFFFF00  }
0x25: {  	v17 =	vld [tilespmem:$0x0]  }
0x26: {  	v18 =	vld [tilespmem:$0x100]  }
0x27: {  	v19 =	vld [tilespmem:$0x200]  }
0x28: {  	v20 =	vld [tilespmem:$0x300]  }
0x29: {  	v21 =	vld [tilespmem:$0x10]  }
0x2a: {  	v22 =	vld [tilespmem:$0x110]  }
0x2b: {  	v23 =	vld [tilespmem:$0x210]  }
0x2c: {  	v24 =	vld [tilespmem:$0x310]  }
0x2d: {  	v25 =	vld [tilespmem:$0x20]  }
0x2e: {  	v26 =	vld [tilespmem:$0x120]  }
0x2f: {  	v27 =	vld [tilespmem:$0x220]  }
0x30: {  	v28 =	vld [tilespmem:$0x320]  }
0x31: {  	v29 =	vld [tilespmem:$0x30]  }
0x32: {  	v30 =	vld [tilespmem:$0x130]  }
0x33: {  	v31 =	vld [tilespmem:$0x230]  }
0x34: {  	v32 =	vld [tilespmem:$0x330]  }
0x35: {  	v33 =	vld [tilespmem:$0x40]  }
0x36: {  	v34 =	vld [tilespmem:$0x140]  }
0x37: {  	v35 =	vld [tilespmem:$0x240]  }
0x38: {  	v36 =	vld [tilespmem:$0x340]  }
0x39: {  	v37 =	vld [tilespmem:$0x50]  }
0x3a: {  	v38 =	vld [tilespmem:$0x150]  }
0x3b: {  	v39 =	vld [tilespmem:$0x250]  }
0x3c: {  	v40 =	vld [tilespmem:$0x350]  }
0x3d: {  	v41 =	vld [tilespmem:$0x60]  }
0x3e: {  	v55 =	vld [tilespmem:$0x180]  }
0x3f: {  	v57 =	vld [tilespmem:$0x380]  }
0x40: {  	v42 =	vld [tilespmem:$0x160];
	vm0 =	vgt.s32 v18, $0x0;
	vm1 =	vgt.s32 v20, $0x0  }
0x41: {  	v43 =	vld [tilespmem:$0x260];
	vm2 =	veq.s32 v19, v6;
	vm9 =	vgt.s32 v22, $0x0;
	vm3 =	vgt.s32 v24, $0x0  }
0x42: {  	v51 =	vld [tilespmem:$0x170];
	vm10 =	veq.s32 v23, v0;
	vm12 =	vgt.s32 v26, $0x0;
	vm13 =	vgt.s32 v28, $0x0  }
0x43: {  	v52 =	vld [tilespmem:$0x270];
	vm14 =	veq.s32 v27, v1;
	vm6 =	vgt.s32 v30, $0x0;
	vm7 =	vgt.s32 v32, $0x0  }
0x44: {  	v53 =	vld [tilespmem:$0x370];
	vm8 =	veq.s32 v31, v2;
	vm4 =	vgt.s32 v55, $0x0;
	vm5 =	vgt.s32 v57, $0x0  }
0x45: {  	v54 =	vld [tilespmem:$0x80];
	vm0 =	vmand vm0, vm1;
	vm11 =	vmand vm9, vm3;
	vm15 =	vmand vm12, vm13  }
0x46: {  	v56 =	vld [tilespmem:$0x280];
	vm9 =	vmand vm6, vm7;
	vm12 =	vgt.s32 v38, $0x0;
	vm0 =	vmand vm2, vm0  }
0x47: {  	v18 =	vld [tilespmem:$0x360];
	vm6 =	veq.s32 v39, v4;
	vm7 =	vgt.s32 v42, $0x0;
	v17 =	vnsel vm0, $0xFFFFFFFF, v17  }
0x48: {  	v58 =	vld [tilespmem:$0x90];
	vm0 =	vmand vm10, vm11;
	vm10 =	vgt.s32 v34, $0x0;
	vm11 =	vgt.s32 v36, $0x0  }
0x49: {  	v59 =	vld [tilespmem:$0x190];
	v21 =	vnsel vm0, $0xFFFFFFFF, v21;
	vm0 =	vmand vm14, vm15;
	vm13 =	vmand vm10, vm11  }
0x4a: {  	v60 =	vld [tilespmem:$0x290];
	vm14 =	vgt.s32 v40, $0x0;
	vm15 =	veq.s32 v35, v3;
	vm10 =	veq.s32 v43, v5  }
0x4b: {  	v62 =	vld [tilespmem:$0xA0];
	vm11 =	vgt.s32 v51, $0x0;
	v25 =	vnsel vm0, $0xFFFFFFFF, v25;
	vm0 =	vmand vm8, vm9  }
0x4c: {  	v63 =	vld [tilespmem:$0x1A0];
	vm1 =	vmand vm12, vm14;
	vm8 =	vgt.s32 v18, $0x0;
	vm9 =	vgt.s32 v17, $0x0  }
0x4d: {  	v44 =	vld [tilespmem:$0x3B0];
	vm12 =	vgt.s32 v21, $0x0;
	vm14 =	veq.s32 v52, v7;
	v29 =	vnsel vm0, $0xFFFFFFFF, v29  }
0x4e: {  	v46 =	vld [tilespmem:$0x1C0];
	[tilespmem:$0x400] =	vst v17;
	vm0 =	vmand vm15, vm13;
	vm1 =	vmand vm6, vm1;
	v17 =	vsel vm9, $0x1, v16  }
0x4f: {  	v19 =	vld [tilespmem:$0x70];
	[tilespmem:$0x410] =	vst v21;
	vm13 =	vgt.s32 v53, $0x0;
	vm15 =	vgt.s32 v25, $0x0;
	v33 =	vnsel vm0, $0xFFFFFFFF, v33  }
0x50: {  	v38 =	vld [tilespmem:$0x3A0];
	[tilespmem:$0x420] =	vst v25;
	v61 =	vnsel vm1, $0xFFFFFFFF, v37;
	vm0 =	vmand vm7, vm8;
	v37 =	vsel vm12, $0x1, v16  }
0x51: {  	v18 =	vld [tilespmem:$0x390];
	[tilespmem:$0x500] =	vst v17;
	v40 =	vsel vm15, $0x1, v16;
	vm6 =	vgt.s32 v29, $0x0;
	vm7 =	veq.s32 v56, v8  }
0x52: {  	v36 =	vld [tilespmem:$0x2A0];
	[tilespmem:$0x430] =	vst v29;
	vm8 =	vgt.s32 v59, $0x0;
	vm0 =	vmand vm10, vm0;
	v43 =	vsel vm6, $0x1, v16  }
0x53: {  	v47 =	vld [tilespmem:$0x2C0];
	[tilespmem:$0x510] =	vst v37;
	vm9 =	vgt.s32 v33, $0x0;
	vm12 =	vgt.s32 v61, $0x0;
	v17 =	vnsel vm0, $0xFFFFFFFF, v41  }
0x54: {  	v49 =	vld [tilespmem:$0x3C0];
	[tilespmem:$0x520] =	vst v40;
	vm0 =	vmand vm11, vm13;
	v45 =	vsel vm9, $0x1, v16;
	vm11 =	veq.s32 v60, v9  }
0x55: {  	v42 =	vld [tilespmem:$0x2B0];
	[tilespmem:$0x440] =	vst v33;
	vm13 =	vgt.s32 v63, $0x0;
	v48 =	vsel vm12, $0x1, v16;
	vm0 =	vmand vm14, vm0  }
0x56: {  	[tilespmem:$0x450] =	vst v61;
	v41 =	vld [tilespmem:$0x1B0];
	vm10 =	vgt.s32 v18, $0x0;
	vm14 =	vgt.s32 v38, $0x0;
	vm15 =	vgt.s32 v17, $0x0  }
0x57: {  	v55 =	vld [tilespmem:$0x1E0];
	[tilespmem:$0x530] =	vst v43;
	v19 =	vnsel vm0, $0xFFFFFFFF, v19;
	vm0 =	vmand vm4, vm5;
	vm4 =	veq.s32 v36, v10  }
0x58: {  	v51 =	vld [tilespmem:$0x1D0];
	[tilespmem:$0x460] =	vst v17;
	v17 =	vsel vm15, $0x1, v16;
	vm0 =	vmand vm7, vm0;
	vm6 =	vgt.s32 v19, $0x0  }
0x59: {  	v53 =	vld [tilespmem:$0x3D0];
	[tilespmem:$0x540] =	vst v45;
	vm7 =	vgt.s32 v44, $0x0;
	v24 =	vnsel vm0, $0xFFFFFFFF, v54;
	vm0 =	vmand vm8, vm10  }
0x5a: {  	v52 =	vld [tilespmem:$0x2D0];
	[tilespmem:$0x470] =	vst v19;
	v19 =	vsel vm6, $0x1, v16;
	vm8 =	veq.s32 v42, v11;
	vm10 =	vgt.s32 v46, $0x0  }
0x5b: {  	v60 =	vld [tilespmem:$0x3F0];
	[tilespmem:$0x550] =	vst v48;
	vm0 =	vmand vm11, vm0;
	vm5 =	vgt.s32 v41, $0x0;
	vm9 =	vgt.s32 v24, $0x0  }
0x5c: {  	v56 =	vld [tilespmem:$0x3E0];
	[tilespmem:$0x560] =	vst v17;
	vm11 =	vgt.s32 v49, $0x0;
	v30 =	vnsel vm0, $0xFFFFFFFF, v58;
	vm0 =	vmand vm13, vm14  }
0x5d: {  	v39 =	vld [tilespmem:$0xB0];
	[tilespmem:$0x570] =	vst v19;
	v54 =	vsel vm9, $0x1, v16;
	vm13 =	veq.s32 v47, v12;
	vm14 =	vgt.s32 v51, $0x0  }
0x5e: {  	v59 =	vld [tilespmem:$0x1F0];
	[tilespmem:$0x480] =	vst v24;
	vm0 =	vmand vm4, vm0;
	vm12 =	vgt.s32 v30, $0x0;
	vm4 =	vgt.s32 v53, $0x0  }
0x5f: {  	v18 =	vld [tilespmem:$0xC0];
	[tilespmem:$0x580] =	vst v54;
	v17 =	vnsel vm0, $0xFFFFFFFF, v62;
	vm0 =	vmand vm5, vm7;
	v57 =	vsel vm12, $0x1, v16  }
0x60: {  	v58 =	vld [tilespmem:$0x2E0];
	[tilespmem:$0x490] =	vst v30;
	vm5 =	veq.s32 v52, v13;
	vm7 =	vgt.s32 v55, $0x0;
	vm12 =	vgt.s32 v60, $0x0  }
0x61: {  	v50 =	vld [tilespmem:$0xD0];
	vm0 =	vmand vm8, vm0;
	[tilespmem:$0x590] =	vst v57;
	vm15 =	vgt.s32 v17, $0x0;
	vm8 =	vgt.s32 v56, $0x0  }
0x62: {  	v19 =	vld [tilespmem:$0xE0];
	[tilespmem:$0x4A0] =	vst v17;
	v21 =	vnsel vm0, $0xFFFFFFFF, v39;
	vm0 =	vmand vm10, vm11;
	v17 =	vsel vm15, $0x1, v16  }
0x63: {  	vm11 =	vgt.s32 v59, $0x0;
	vm0 =	vmand vm13, vm0;
	[tilespmem:$0x5A0] =	vst v17;
	vm6 =	vgt.s32 v21, $0x0;
	v17 =	vld [tilespmem:$0x2F0]  }
0x64: {  	[tilespmem:$0x4B0] =	vst v21;
	v18 =	vnsel vm0, $0xFFFFFFFF, v18;
	vm0 =	vmand vm14, vm4;
	v62 =	vsel vm6, $0x1, v16  }
0x65: {  	v63 =	vld [tilespmem:$0xF0];
	vm10 =	veq.s32 v58, v14;
	vm0 =	vmand vm5, vm0;
	[tilespmem:$0x5B0] =	vst v62;
	vm9 =	vgt.s32 v18, $0x0  }
0x66: {  	[tilespmem:$0x4C0] =	vst v18;
	v61 =	vnsel vm0, $0xFFFFFFFF, v50;
	vm0 =	vmand vm7, vm8;
	v18 =	vsel vm9, $0x1, v16  }
0x67: {  	vm1 =	vmand vm11, vm12;
	vm0 =	vmand vm10, vm0;
	[tilespmem:$0x5C0] =	vst v18;
	vm13 =	vgt.s32 v61, $0x0  }
0x68: {  	[tilespmem:$0x4D0] =	vst v61;
	v18 =	vnsel vm0, $0xFFFFFFFF, v19;
	v19 =	vsel vm13, $0x1, v16;
	vm14 =	veq.s32 v17, v15  }
0x69: {  	[tilespmem:$0x5D0] =	vst v19;
	vm0 =	vmand vm14, vm1;
	vm15 =	vgt.s32 v18, $0x0  }
0x6a: {  	[tilespmem:$0x4E0] =	vst v18;
	v17 =	vsel vm15, $0x1, v16;
	v18 =	vnsel vm0, $0xFFFFFFFF, v63  }
0x6b: {  	[tilespmem:$0x5E0] =	vst v17;
	vm0 =	vgt.s32 v18, $0x0  }
0x6c: {  	[tilespmem:$0x4F0] =	vst v18;
	v17 =	vsel vm0, $0x1, v16  }
0x6d: {  	[tilespmem:$0x5F0] =	vst v17  }
0x6e: {  	[hbm4b:s7+s2] =	stream.linear.scatter [tilespmem:s15], [sflag:$0x2], $0x100, $0x38;
	[tilespmem:$0x600] =	vst v63  }
0x6f: {  	_ =	swait.ge [sflag:s10], $0x100  }
0x70: {  	p0 =	sne.s32 s9, $0x1;
	[sflag:s10] =	ssyncset.done $0x0  }
.Ltmp0:
0x71: {  	[sflag:s10] =	ssyncadd.s32 $0xFFFFFF00;
	(pc) =	sbr.rel @p0 .LBB2_1-.Ltmp0, $4  }
0x72: {  	[hbm4b:s8+s2] =	stream.linear.scatter [tilespmem:s16], [sflag:$0x2], $0x100, $0x38;
	[tilespmem:$0x600] =	vst v63  }
0x73: {  	_ =	swait.ge [sflag:s10], $0x100  }
0x74: {  	[sflag:s10] =	ssyncset.done $0x0  }
0x75: {  	s9 =	sadd.s32 $0xFFFFFFFF, s9;
	[sflag:s10] =	ssyncadd.s32 $0xFFFFFF00  }
0x76: {  	_ =	sfence.sel $0x180000  }
0x77: {  	[bflag:$0x0] =	sbarrier.arrive $0xFFFF  }
0x78: {  	p0 =	sne.s32 s1, $0x0;
	_ =	strace $0x90000047  }
0x79: {  	s0 =	sadd.s32 @!p0 $0x100000, s0;
	[bflag:$0x2] =	sbarrier.arrive $0xFFFF  }
0x7a: {  	[sflag:s0] =	ssyncadd.tile.s32 @!p0 $0x1;
	_ =	shalt  }
.Lfunc_end2:
_tile_overlayer_lowered:
.L_overlay_start_2:
0x7b: {  	(tag) =	ssettag $0x2  }
0x7c: {  	s0 =	rddreg [dreg:$0x0];
	s2 =	stileid.u32  }
0x7d: {  	s1 =	rddreg [dreg:$0x1];
	p0 =	sne.s32 s2, $0x0  }
0x7e: {  	s3 =	rddreg [dreg:$0x2];
	[bflag:$0x3] =	sbarrier.arrive $0xFFFF;
	s2 =	simm.s32 @!p0 $0x1C02  }
0x7f: {  	[timem:s3], [sflag:s2] =	dma.local @!p0 [hbm:s0], s1  }
0x80: {  	s0 =	simm.s32 @!p0 $0x2  }
0x81: {  	_ =	swait.ge @!p0 [sflag:s0], s1  }
0x82: {  	s1 =	ssub.s32 @!p0 $0x0, s1;
	[sflag:s0] =	ssyncset.done @!p0 $0x0  }
0x83: {  	[sflag:s0] =	ssyncadd.s32 @!p0 s1  }
0x84: {  	[bflag:$0x3] =	sbarrier.arrive $0xFFFF  }
0x85: {  	_ =	shalt  }

</sc_bundles>
